<compile_context>
chip_gen: v7x
topology: tpu7x:2x2x1
jax: 0.10.2.dev20260603
libtpu: 0.0.44.dev20260713+nightly
codegen_flags: <defaults>
</compile_context>

<pallas_src>
import functools

import jax
import jax.numpy as jnp
from jax import lax
from jax.experimental import pallas as pl
from jax.experimental.pallas import tpu as pltpu
from jax.experimental.pallas import tpu_sc as plsc

_L = 16


@functools.lru_cache(maxsize=None)
def _make_sc_kernel(B, S, D, NW, K):
    R = B * S
    rows_w = R // NW
    n_chunks = rows_w // K
    wpb = S // rows_w

    mesh = plsc.VectorSubcoreMesh(core_axis_name="c", subcore_axis_name="s")

    @functools.partial(
        pl.kernel,
        mesh=mesh,
        out_type=jax.ShapeDtypeStruct((R, 2 * D), jnp.float32),
        scratch_types=[
            pltpu.VMEM((2 * n_chunks, K), jnp.int32),
            pltpu.VMEM((2, K, 2 * D), jnp.float32),
            pltpu.SemaphoreType.DMA,
            pltpu.SemaphoreType.DMA,
            pltpu.SemaphoreType.DMA,
            pltpu.SemaphoreType.DMA,
        ],
    )
    def sc_kernel(xf_hbm, xb_hbm, idxf_hbm, idxb_hbm, out_hbm,
                  idx_v, buf_v, gsem0, gsem1, wsem0, wsem1):
        gsems = (gsem0, gsem1)
        wsems = (wsem0, wsem1)
        wid = lax.axis_index("s") * 2 + lax.axis_index("c")
        row_base = wid * rows_w
        boff = (wid // wpb) * S

        pltpu.sync_copy(idxf_hbm.at[wid], idx_v.at[pl.ds(0, n_chunks)])
        pltpu.sync_copy(idxb_hbm.at[wid], idx_v.at[pl.ds(n_chunks, n_chunks)])

        def mask_body(t, carry):
            for h in range(K // _L):
                v = idx_v[t, pl.ds(h * _L, _L)]
                v = jnp.where(v >= 2, v, 0) + boff
                idx_v[t, pl.ds(h * _L, _L)] = v
            return carry

        lax.fori_loop(0, 2 * n_chunks, mask_body, 0)

        def gather_copies(c, s):
            cf = pltpu.make_async_copy(
                xf_hbm.at[idx_v.at[c]], buf_v.at[s, :, pl.ds(0, D)], gsems[s])
            cb = pltpu.make_async_copy(
                xb_hbm.at[idx_v.at[n_chunks + c]], buf_v.at[s, :, pl.ds(D, D)],
                gsems[s])
            return cf, cb

        def write_copy(c, s):
            return pltpu.make_async_copy(
                buf_v.at[s], out_hbm.at[pl.ds(row_base + c * K, K)], wsems[s])

        def fire_gather(c, s):
            cf, cb = gather_copies(c, s)
            cf.start()
            cb.start()

        fire_gather(0, 0)

        def chunk_body(i, carry):
            for s in range(2):
                c = 2 * i + s
                cf, cb = gather_copies(c, s)
                cf.wait()
                cb.wait()
                write_copy(c, s).start()

                @pl.when(c + 1 < n_chunks)
                def _fire_next():
                    @pl.when(c >= 1)
                    def _drain_prev_write():
                        write_copy(c - 1, 1 - s).wait()
                    fire_gather(c + 1, 1 - s)
            return carry

        lax.fori_loop(0, n_chunks // 2, chunk_body, 0)
        write_copy(n_chunks - 1, 1).wait()

    return sc_kernel


def kernel(x_forward, x_backward, indices_fwd, indices_back):
    B, S, D = x_forward.shape
    NW, K = 32, 32
    R = B * S
    rows_w = R // NW
    n_chunks = rows_w // K

    xf = x_forward.reshape(R, D)
    xb = x_backward.reshape(R, D)
    idf = indices_fwd.astype(jnp.int32).reshape(NW, n_chunks, K)
    idb = indices_back.astype(jnp.int32).reshape(NW, n_chunks, K)

    out = _make_sc_kernel(B, S, D, NW, K)(xf, xb, idf, idb)
    return out.reshape(B, S, 2 * D)

# --- scband reference (transcript-rebuilt; emitter-appended) ---
"""Pipeline reference for scband-word-extraction-bidirectional-79448305042054 (READ-ONLY COPY).

The authoritative reference and input builder live on the scoring server;
editing this copy changes nothing except your own understanding.
"""

import jax, jax.numpy as jnp
import numpy as np


def setup_inputs(seed: int = 0) -> dict:
    key = jax.random.key(seed)
    k1, k2, k3, k4 = jax.random.split(key, 4)
    B, S, D = 4, 8192, 768
    x_forward = jax.random.normal(k1, (B, S, D), dtype=jnp.float32)
    x_backward = jax.random.normal(k2, (B, S, D), dtype=jnp.float32)
    indices_fwd = jax.random.randint(k3, (B, S), 0, S, dtype=jnp.int64 if jax.config.jax_enable_x64 else jnp.int32).astype(jnp.int32)
    indices_back = jax.random.randint(k4, (B, S), 0, S, dtype=jnp.int64 if jax.config.jax_enable_x64 else jnp.int32).astype(jnp.int32)
    return {
        "x_forward": x_forward,
        "x_backward": x_backward,
        "indices_fwd": indices_fwd,
        "indices_back": indices_back,
    }


def reference(x_forward, x_backward, indices_fwd, indices_back):
    # Mask: indices < 2 are zeroed out (mapped to position 0), matching
    # K.cast(idx * K.cast(K.greater_equal(idx, 2), 'int32'), 'int32')
    m_fwd = indices_fwd * (indices_fwd >= 2).astype(indices_fwd.dtype)
    m_back = indices_back * (indices_back >= 2).astype(indices_back.dtype)
    # Per-batch gather along the sequence axis (equivalent to theano.scan
    # over the batch dimension with K.gather inside the step function).
    v1 = jnp.take_along_axis(x_forward, m_fwd[..., None], axis=1)
    v2 = jnp.take_along_axis(x_backward, m_back[..., None], axis=1)
    # Concatenate forward and backward hidden states along feature dim.
    return jnp.concatenate([v1, v2], axis=-1)

if __name__ == "__main__":
    import jax
    _d = setup_inputs()
    print(jax.jit(kernel)(*tuple(_d.values())))

</pallas_src>

<mosaic_0001>
#map = affine_map<(d0, d1) -> (0, 0)>
#map1 = affine_map<(d0, d1) -> (0, 0, 0)>
module attributes {stable_mosaic.version = 14 : i64} {
  func.func @sc_kernel(%arg0: i32, %arg1: i32, %arg2: memref<32768x768xf32, #tpu.memory_space<hbm>>, %arg3: memref<32768x768xf32, #tpu.memory_space<hbm>>, %arg4: memref<32x32x32xi32, #tpu.memory_space<hbm>>, %arg5: memref<32x32x32xi32, #tpu.memory_space<hbm>>, %arg6: memref<32768x1536xf32, #tpu.memory_space<hbm>>, %arg7: memref<64x32xi32, #tpu.memory_space<vmem>>, %arg8: memref<2x32x1536xf32, #tpu.memory_space<vmem>>, %arg9: memref<!tpu.dma_semaphore, #tpu.memory_space<semaphore_mem>>, %arg10: memref<!tpu.dma_semaphore, #tpu.memory_space<semaphore_mem>>, %arg11: memref<!tpu.dma_semaphore, #tpu.memory_space<semaphore_mem>>, %arg12: memref<!tpu.dma_semaphore, #tpu.memory_space<semaphore_mem>>) attributes {dimension_semantics = [#tpu.dimension_semantics<core_parallel>, #tpu.dimension_semantics<subcore_parallel>], iteration_bounds = array<i64: 2, 16>, scalar_prefetch = 0 : i64, scratch_operands = 6 : i64, tpu.core_type = #tpu.core_type<sc_vector_subcore>, window_params = [{transform_indices = #map}, {transform_indices = #map}, {transform_indices = #map1}, {transform_indices = #map1}, {transform_indices = #map}]} {
    %mul3A = arith.constant 2 : i32
    %mul3A_0 = arith.muli %arg1, %mul3A : i32
    %add3A = arith.addi %mul3A_0, %arg0 : i32
    %mul3A_1 = arith.constant 1024 : i32
    %mul3A_2 = arith.muli %add3A, %mul3A_1 : i32
    %jit3A = arith.constant 8 : i32
    %div3A = arith.divsi %add3A, %jit3A : i32
    %sign3A = arith.constant 0 : i32
    %sign3A_3 = arith.cmpi sgt, %add3A, %sign3A : i32
    %sign3A_4 = arith.extui %sign3A_3 : i1 to i32
    %sign3A_5 = arith.constant 0 : i32
    %sign3A_6 = arith.cmpi slt, %add3A, %sign3A_5 : i32
    %sign3A_7 = arith.extui %sign3A_6 : i1 to i32
    %sign3A_8 = arith.subi %sign3A_4, %sign3A_7 : i32
    %sign3A_9 = arith.constant 0 : i32
    %sign3A_10 = arith.cmpi sgt, %jit3A, %sign3A_9 : i32
    %sign3A_11 = arith.extui %sign3A_10 : i1 to i32
    %sign3A_12 = arith.constant 0 : i32
    %sign3A_13 = arith.cmpi slt, %jit3A, %sign3A_12 : i32
    %sign3A_14 = arith.extui %sign3A_13 : i1 to i32
    %sign3A_15 = arith.subi %sign3A_11, %sign3A_14 : i32
    %ne3A = arith.cmpi ne, %sign3A_8, %sign3A_15 : i32
    %rem3A = arith.remsi %add3A, %jit3A : i32
    %ne3A_16 = arith.constant 0 : i32
    %ne3A_17 = arith.cmpi ne, %rem3A, %ne3A_16 : i32
    %and3A = arith.andi %ne3A, %ne3A_17 : i1
    %sub3A = arith.constant 1 : i32
    %sub3A_18 = arith.subi %div3A, %sub3A : i32
    %select_n3A = arith.select %and3A, %sub3A_18, %div3A : i32
    %mul3A_19 = arith.constant 8192 : i32
    %mul3A_20 = arith.muli %select_n3A, %mul3A_19 : i32
    "tpu.region"() ({
      %run_scoped3A = tpu.sem_alloc : memref<!tpu.dma_semaphore, #tpu.memory_space<semaphore_mem>>
      %dma_start3A_69 = arith.constant 0 : i32
      %dma_start3A_70 = arith.constant 0 : i32
      %dma_start3A_71 = tpu.memref_slice %arg7[%dma_start3A_69, %dma_start3A_70] : memref<64x32xi32, #tpu.memory_space<vmem>> -> memref<32x32xi32, #tpu.memory_space<vmem>>
      %dma_start3A_72 = arith.constant 0 : i32
      %dma_start3A_73 = arith.constant 0 : i32
      %dma_start3A_74 = tpu.memref_slice %arg4[%add3A, %dma_start3A_72, %dma_start3A_73] : memref<32x32x32xi32, #tpu.memory_space<hbm>> -> memref<1x32x32xi32, #tpu.memory_space<hbm>>
      %dma_start3A_75 = tpu.memref_squeeze %dma_start3A_74 : memref<1x32x32xi32, #tpu.memory_space<hbm>> -> memref<32x32xi32, #tpu.memory_space<hbm>>
      %dma_start3A_76 = arith.constant 0 : i32
      %dma_start3A_77 = arith.constant 0 : i32
      %dma_start3A_78 = tpu.memref_slice %arg7[%dma_start3A_76, %dma_start3A_77] : memref<64x32xi32, #tpu.memory_space<vmem>> -> memref<32x32xi32, #tpu.memory_space<vmem>>
      %dma_start3A_79 = arith.constant 0 : i32
      %dma_start3A_80 = arith.constant 0 : i32
      %dma_start3A_81 = tpu.memref_slice %arg4[%add3A, %dma_start3A_79, %dma_start3A_80] : memref<32x32x32xi32, #tpu.memory_space<hbm>> -> memref<1x32x32xi32, #tpu.memory_space<hbm>>
      %dma_start3A_82 = tpu.memref_squeeze %dma_start3A_81 : memref<1x32x32xi32, #tpu.memory_space<hbm>> -> memref<32x32xi32, #tpu.memory_space<hbm>>
      tpu.enqueue_dma source(%dma_start3A_82 : memref<32x32xi32, #tpu.memory_space<hbm>>) target(%dma_start3A_78 : memref<32x32xi32, #tpu.memory_space<vmem>>) target_semaphore(%run_scoped3A : memref<!tpu.dma_semaphore, #tpu.memory_space<semaphore_mem>>)
      %dma_wait3A_83 = arith.constant 0 : i32
      %dma_wait3A_84 = arith.constant 0 : i32
      %dma_wait3A_85 = tpu.memref_slice %arg7[%dma_wait3A_83, %dma_wait3A_84] : memref<64x32xi32, #tpu.memory_space<vmem>> -> memref<32x32xi32, #tpu.memory_space<vmem>>
      %dma_wait3A_86 = arith.constant 0 : i32
      %dma_wait3A_87 = arith.constant 0 : i32
      %dma_wait3A_88 = tpu.memref_slice %arg4[%add3A, %dma_wait3A_86, %dma_wait3A_87] : memref<32x32x32xi32, #tpu.memory_space<hbm>> -> memref<1x32x32xi32, #tpu.memory_space<hbm>>
      %dma_wait3A_89 = tpu.memref_squeeze %dma_wait3A_88 : memref<1x32x32xi32, #tpu.memory_space<hbm>> -> memref<32x32xi32, #tpu.memory_space<hbm>>
      %dma_wait3A_90 = arith.constant 0 : i32
      %dma_wait3A_91 = arith.constant 0 : i32
      %dma_wait3A_92 = tpu.memref_slice %arg7[%dma_wait3A_90, %dma_wait3A_91] : memref<64x32xi32, #tpu.memory_space<vmem>> -> memref<32x32xi32, #tpu.memory_space<vmem>>
      %dma_wait3A_93 = arith.constant 0 : i32
      %dma_wait3A_94 = arith.constant 0 : i32
      %dma_wait3A_95 = tpu.memref_slice %arg4[%add3A, %dma_wait3A_93, %dma_wait3A_94] : memref<32x32x32xi32, #tpu.memory_space<hbm>> -> memref<1x32x32xi32, #tpu.memory_space<hbm>>
      %dma_wait3A_96 = tpu.memref_squeeze %dma_wait3A_95 : memref<1x32x32xi32, #tpu.memory_space<hbm>> -> memref<32x32xi32, #tpu.memory_space<hbm>>
      tpu.wait_dma2 semaphore(%run_scoped3A : memref<!tpu.dma_semaphore, #tpu.memory_space<semaphore_mem>>) src(%dma_wait3A_96 : memref<32x32xi32, #tpu.memory_space<hbm>>) dst(%dma_wait3A_92 : memref<32x32xi32, #tpu.memory_space<vmem>>)
      tpu.yield
    }) : () -> ()
    "tpu.region"() ({
      %run_scoped3A = tpu.sem_alloc : memref<!tpu.dma_semaphore, #tpu.memory_space<semaphore_mem>>
      %dma_start3A_69 = arith.constant 32 : i32
      %dma_start3A_70 = arith.constant 0 : i32
      %dma_start3A_71 = tpu.memref_slice %arg7[%dma_start3A_69, %dma_start3A_70] : memref<64x32xi32, #tpu.memory_space<vmem>> -> memref<32x32xi32, #tpu.memory_space<vmem>>
      %dma_start3A_72 = arith.constant 0 : i32
      %dma_start3A_73 = arith.constant 0 : i32
      %dma_start3A_74 = tpu.memref_slice %arg5[%add3A, %dma_start3A_72, %dma_start3A_73] : memref<32x32x32xi32, #tpu.memory_space<hbm>> -> memref<1x32x32xi32, #tpu.memory_space<hbm>>
      %dma_start3A_75 = tpu.memref_squeeze %dma_start3A_74 : memref<1x32x32xi32, #tpu.memory_space<hbm>> -> memref<32x32xi32, #tpu.memory_space<hbm>>
      %dma_start3A_76 = arith.constant 32 : i32
      %dma_start3A_77 = arith.constant 0 : i32
      %dma_start3A_78 = tpu.memref_slice %arg7[%dma_start3A_76, %dma_start3A_77] : memref<64x32xi32, #tpu.memory_space<vmem>> -> memref<32x32xi32, #tpu.memory_space<vmem>>
      %dma_start3A_79 = arith.constant 0 : i32
      %dma_start3A_80 = arith.constant 0 : i32
      %dma_start3A_81 = tpu.memref_slice %arg5[%add3A, %dma_start3A_79, %dma_start3A_80] : memref<32x32x32xi32, #tpu.memory_space<hbm>> -> memref<1x32x32xi32, #tpu.memory_space<hbm>>
      %dma_start3A_82 = tpu.memref_squeeze %dma_start3A_81 : memref<1x32x32xi32, #tpu.memory_space<hbm>> -> memref<32x32xi32, #tpu.memory_space<hbm>>
      tpu.enqueue_dma source(%dma_start3A_82 : memref<32x32xi32, #tpu.memory_space<hbm>>) target(%dma_start3A_78 : memref<32x32xi32, #tpu.memory_space<vmem>>) target_semaphore(%run_scoped3A : memref<!tpu.dma_semaphore, #tpu.memory_space<semaphore_mem>>)
      %dma_wait3A_83 = arith.constant 32 : i32
      %dma_wait3A_84 = arith.constant 0 : i32
      %dma_wait3A_85 = tpu.memref_slice %arg7[%dma_wait3A_83, %dma_wait3A_84] : memref<64x32xi32, #tpu.memory_space<vmem>> -> memref<32x32xi32, #tpu.memory_space<vmem>>
      %dma_wait3A_86 = arith.constant 0 : i32
      %dma_wait3A_87 = arith.constant 0 : i32
      %dma_wait3A_88 = tpu.memref_slice %arg5[%add3A, %dma_wait3A_86, %dma_wait3A_87] : memref<32x32x32xi32, #tpu.memory_space<hbm>> -> memref<1x32x32xi32, #tpu.memory_space<hbm>>
      %dma_wait3A_89 = tpu.memref_squeeze %dma_wait3A_88 : memref<1x32x32xi32, #tpu.memory_space<hbm>> -> memref<32x32xi32, #tpu.memory_space<hbm>>
      %dma_wait3A_90 = arith.constant 32 : i32
      %dma_wait3A_91 = arith.constant 0 : i32
      %dma_wait3A_92 = tpu.memref_slice %arg7[%dma_wait3A_90, %dma_wait3A_91] : memref<64x32xi32, #tpu.memory_space<vmem>> -> memref<32x32xi32, #tpu.memory_space<vmem>>
      %dma_wait3A_93 = arith.constant 0 : i32
      %dma_wait3A_94 = arith.constant 0 : i32
      %dma_wait3A_95 = tpu.memref_slice %arg5[%add3A, %dma_wait3A_93, %dma_wait3A_94] : memref<32x32x32xi32, #tpu.memory_space<hbm>> -> memref<1x32x32xi32, #tpu.memory_space<hbm>>
      %dma_wait3A_96 = tpu.memref_squeeze %dma_wait3A_95 : memref<1x32x32xi32, #tpu.memory_space<hbm>> -> memref<32x32xi32, #tpu.memory_space<hbm>>
      tpu.wait_dma2 semaphore(%run_scoped3A : memref<!tpu.dma_semaphore, #tpu.memory_space<semaphore_mem>>) src(%dma_wait3A_96 : memref<32x32xi32, #tpu.memory_space<hbm>>) dst(%dma_wait3A_92 : memref<32x32xi32, #tpu.memory_space<vmem>>)
      tpu.yield
    }) : () -> ()
    %scan3A = arith.constant 0 : i32
    %scan3A_21 = arith.constant 0 : i32
    %scan3A_22 = arith.constant 64 : i32
    %scan3A_23 = arith.addi %scan3A_21, %scan3A_22 : i32
    %scan3A_24 = arith.constant 1 : i32
    scf.for %scan3A_69 = %scan3A_21 to %scan3A_23 step %scan3A_24  : i32 {
      %get3A = arith.index_cast %scan3A_69 : i32 to index
      %get3A_70 = arith.constant 0 : index
      %get3A_71 = tpu.vector_load %arg7[%get3A, %get3A_70] {strides = array<i32>} : memref<64x32xi32, #tpu.memory_space<vmem>>, vector<1x16xi32>,
      %get3A_72 = vector.shape_cast %get3A_71 : vector<1x16xi32> to vector<16xi32>
      %ge3A = arith.constant 2 : i32
      %ge3A_73 = vector.broadcast %ge3A : i32 to vector<16xi32>
      %ge3A_74 = arith.cmpi sge, %get3A_72, %ge3A_73 : vector<16xi32>
      %jit3A_75 = arith.constant 0 : i32
      %broadcast_in_dim3A = vector.broadcast %jit3A_75 : i32 to vector<16xi32>
      %select_n3A_76 = arith.select %ge3A_74, %get3A_72, %broadcast_in_dim3A : vector<16xi1>, vector<16xi32>
      %add3A_77 = vector.broadcast %mul3A_20 : i32 to vector<16xi32>
      %add3A_78 = arith.addi %select_n3A_76, %add3A_77 : vector<16xi32>
      %swap3A = arith.index_cast %scan3A_69 : i32 to index
      %swap3A_79 = arith.constant 0 : index
      %swap3A_80 = tpu.vector_load %arg7[%swap3A, %swap3A_79] {strides = array<i32>} : memref<64x32xi32, #tpu.memory_space<vmem>>, vector<1x16xi32>,
      %swap3A_81 = vector.shape_cast %swap3A_80 : vector<1x16xi32> to vector<16xi32>
      %swap3A_82 = vector.shape_cast %add3A_78 : vector<16xi32> to vector<1x16xi32>
      tpu.vector_store %arg7[%swap3A, %swap3A_79], %swap3A_82 {strides = array<i32>} : memref<64x32xi32, #tpu.memory_space<vmem>>, vector<1x16xi32>,
      %get3A_83 = arith.index_cast %scan3A_69 : i32 to index
      %get3A_84 = arith.constant 16 : index
      %get3A_85 = tpu.vector_load %arg7[%get3A_83, %get3A_84] {strides = array<i32>} : memref<64x32xi32, #tpu.memory_space<vmem>>, vector<1x16xi32>,
      %get3A_86 = vector.shape_cast %get3A_85 : vector<1x16xi32> to vector<16xi32>
      %ge3A_87 = arith.constant 2 : i32
      %ge3A_88 = vector.broadcast %ge3A_87 : i32 to vector<16xi32>
      %ge3A_89 = arith.cmpi sge, %get3A_86, %ge3A_88 : vector<16xi32>
      %jit3A_90 = arith.constant 0 : i32
      %broadcast_in_dim3A_91 = vector.broadcast %jit3A_90 : i32 to vector<16xi32>
      %select_n3A_92 = arith.select %ge3A_89, %get3A_86, %broadcast_in_dim3A_91 : vector<16xi1>, vector<16xi32>
      %add3A_93 = vector.broadcast %mul3A_20 : i32 to vector<16xi32>
      %add3A_94 = arith.addi %select_n3A_92, %add3A_93 : vector<16xi32>
      %swap3A_95 = arith.index_cast %scan3A_69 : i32 to index
      %swap3A_96 = arith.constant 16 : index
      %swap3A_97 = tpu.vector_load %arg7[%swap3A_95, %swap3A_96] {strides = array<i32>} : memref<64x32xi32, #tpu.memory_space<vmem>>, vector<1x16xi32>,
      %swap3A_98 = vector.shape_cast %swap3A_97 : vector<1x16xi32> to vector<16xi32>
      %swap3A_99 = vector.shape_cast %add3A_94 : vector<16xi32> to vector<1x16xi32>
      tpu.vector_store %arg7[%swap3A_95, %swap3A_96], %swap3A_99 {strides = array<i32>} : memref<64x32xi32, #tpu.memory_space<vmem>>, vector<1x16xi32>,
    }
    %scan3A_25 = arith.constant 64 : i32
    %dma_start3A = arith.constant 0 : i32
    %dma_start3A_26 = arith.constant 0 : i32
    %dma_start3A_27 = arith.constant 0 : i32
    %dma_start3A_28 = arith.constant 0 : i32
    %dma_start3A_29 = tpu.memref_slice %arg8[%dma_start3A_26, %dma_start3A_27, %dma_start3A_28] : memref<2x32x1536xf32, #tpu.memory_space<vmem>> -> memref<1x32x768xf32, #tpu.memory_space<vmem>>
    %dma_start3A_30 = tpu.memref_squeeze %dma_start3A_29 : memref<1x32x768xf32, #tpu.memory_space<vmem>> -> memref<32x768xf32, #tpu.memory_space<vmem>>
    %dma_start3A_31 = arith.constant 0 : i32
    %dma_start3A_32 = tpu.memref_slice %arg7[%dma_start3A, %dma_start3A_31] : memref<64x32xi32, #tpu.memory_space<vmem>> -> memref<1x32xi32, #tpu.memory_space<vmem>>
    %dma_start3A_33 = tpu.memref_squeeze %dma_start3A_32 : memref<1x32xi32, #tpu.memory_space<vmem>> -> memref<32xi32, #tpu.memory_space<vmem>>
    %dma_start3A_34 = arith.constant 0 : i32
    %dma_start3A_35 = arith.constant 0 : i32
    %dma_start3A_36 = tpu.memref_slice %arg2[%dma_start3A_34, %dma_start3A_35] : memref<32768x768xf32, #tpu.memory_space<hbm>> -> memref<32768x768xf32, #tpu.memory_space<hbm>>
    tpu.enqueue_indirect_dma source(%dma_start3A_36 : memref<32768x768xf32, #tpu.memory_space<hbm>>) target(%dma_start3A_30 : memref<32x768xf32, #tpu.memory_space<vmem>>) offsets(%dma_start3A_33 : memref<32xi32, #tpu.memory_space<vmem>>) semaphore(%arg9 : memref<!tpu.dma_semaphore, #tpu.memory_space<semaphore_mem>>)
    %dma_start3A_37 = arith.constant 32 : i32
    %dma_start3A_38 = arith.constant 0 : i32
    %dma_start3A_39 = arith.constant 0 : i32
    %dma_start3A_40 = arith.constant 768 : i32
    %dma_start3A_41 = tpu.memref_slice %arg8[%dma_start3A_38, %dma_start3A_39, %dma_start3A_40] : memref<2x32x1536xf32, #tpu.memory_space<vmem>> -> memref<1x32x768xf32, #tpu.memory_space<vmem>>
    %dma_start3A_42 = tpu.memref_squeeze %dma_start3A_41 : memref<1x32x768xf32, #tpu.memory_space<vmem>> -> memref<32x768xf32, #tpu.memory_space<vmem>>
    %dma_start3A_43 = arith.constant 0 : i32
    %dma_start3A_44 = tpu.memref_slice %arg7[%dma_start3A_37, %dma_start3A_43] : memref<64x32xi32, #tpu.memory_space<vmem>> -> memref<1x32xi32, #tpu.memory_space<vmem>>
    %dma_start3A_45 = tpu.memref_squeeze %dma_start3A_44 : memref<1x32xi32, #tpu.memory_space<vmem>> -> memref<32xi32, #tpu.memory_space<vmem>>
    %dma_start3A_46 = arith.constant 0 : i32
    %dma_start3A_47 = arith.constant 0 : i32
    %dma_start3A_48 = tpu.memref_slice %arg3[%dma_start3A_46, %dma_start3A_47] : memref<32768x768xf32, #tpu.memory_space<hbm>> -> memref<32768x768xf32, #tpu.memory_space<hbm>>
    tpu.enqueue_indirect_dma source(%dma_start3A_48 : memref<32768x768xf32, #tpu.memory_space<hbm>>) target(%dma_start3A_42 : memref<32x768xf32, #tpu.memory_space<vmem>>) offsets(%dma_start3A_45 : memref<32xi32, #tpu.memory_space<vmem>>) semaphore(%arg9 : memref<!tpu.dma_semaphore, #tpu.memory_space<semaphore_mem>>)
    %scan3A_49 = arith.constant 0 : i32
    %scan3A_50 = arith.constant 0 : i32
    %scan3A_51 = arith.constant 16 : i32
    %scan3A_52 = arith.addi %scan3A_50, %scan3A_51 : i32
    %scan3A_53 = arith.constant 1 : i32
    scf.for %scan3A_69 = %scan3A_50 to %scan3A_52 step %scan3A_53  : i32 {
      %mul3A_70 = arith.constant 2 : i32
      %mul3A_71 = arith.muli %mul3A_70, %scan3A_69 : i32
      %add3A_72 = arith.constant 0 : i32
      %add3A_73 = arith.addi %mul3A_71, %add3A_72 : i32
      %add3A_74 = arith.constant 32 : i32
      %add3A_75 = arith.addi %add3A_74, %add3A_73 : i32
      %dma_wait3A_76 = arith.constant 0 : i32
      %dma_wait3A_77 = arith.constant 0 : i32
      %dma_wait3A_78 = arith.constant 0 : i32
      %dma_wait3A_79 = tpu.memref_slice %arg8[%dma_wait3A_76, %dma_wait3A_77, %dma_wait3A_78] : memref<2x32x1536xf32, #tpu.memory_space<vmem>> -> memref<1x32x768xf32, #tpu.memory_space<vmem>>
      %dma_wait3A_80 = tpu.memref_squeeze %dma_wait3A_79 : memref<1x32x768xf32, #tpu.memory_space<vmem>> -> memref<32x768xf32, #tpu.memory_space<vmem>>
      %dma_wait3A_81 = arith.constant 0 : i32
      %dma_wait3A_82 = tpu.memref_slice %arg7[%add3A_73, %dma_wait3A_81] : memref<64x32xi32, #tpu.memory_space<vmem>> -> memref<1x32xi32, #tpu.memory_space<vmem>>
      %dma_wait3A_83 = tpu.memref_squeeze %dma_wait3A_82 : memref<1x32xi32, #tpu.memory_space<vmem>> -> memref<32xi32, #tpu.memory_space<vmem>>
      %dma_wait3A_84 = arith.constant 0 : i32
      %dma_wait3A_85 = arith.constant 0 : i32
      %dma_wait3A_86 = tpu.memref_slice %arg2[%dma_wait3A_84, %dma_wait3A_85] : memref<32768x768xf32, #tpu.memory_space<hbm>> -> memref<32768x768xf32, #tpu.memory_space<hbm>>
      tpu.wait_indirect_dma semaphore(%arg9 : memref<!tpu.dma_semaphore, #tpu.memory_space<semaphore_mem>>) src(%dma_wait3A_86 : memref<32768x768xf32, #tpu.memory_space<hbm>>) dst(%dma_wait3A_80 : memref<32x768xf32, #tpu.memory_space<vmem>>)
      %dma_wait3A_87 = arith.constant 0 : i32
      %dma_wait3A_88 = arith.constant 0 : i32
      %dma_wait3A_89 = arith.constant 768 : i32
      %dma_wait3A_90 = tpu.memref_slice %arg8[%dma_wait3A_87, %dma_wait3A_88, %dma_wait3A_89] : memref<2x32x1536xf32, #tpu.memory_space<vmem>> -> memref<1x32x768xf32, #tpu.memory_space<vmem>>
      %dma_wait3A_91 = tpu.memref_squeeze %dma_wait3A_90 : memref<1x32x768xf32, #tpu.memory_space<vmem>> -> memref<32x768xf32, #tpu.memory_space<vmem>>
      %dma_wait3A_92 = arith.constant 0 : i32
      %dma_wait3A_93 = tpu.memref_slice %arg7[%add3A_75, %dma_wait3A_92] : memref<64x32xi32, #tpu.memory_space<vmem>> -> memref<1x32xi32, #tpu.memory_space<vmem>>
      %dma_wait3A_94 = tpu.memref_squeeze %dma_wait3A_93 : memref<1x32xi32, #tpu.memory_space<vmem>> -> memref<32xi32, #tpu.memory_space<vmem>>
      %dma_wait3A_95 = arith.constant 0 : i32
      %dma_wait3A_96 = arith.constant 0 : i32
      %dma_wait3A_97 = tpu.memref_slice %arg3[%dma_wait3A_95, %dma_wait3A_96] : memref<32768x768xf32, #tpu.memory_space<hbm>> -> memref<32768x768xf32, #tpu.memory_space<hbm>>
      tpu.wait_indirect_dma semaphore(%arg9 : memref<!tpu.dma_semaphore, #tpu.memory_space<semaphore_mem>>) src(%dma_wait3A_97 : memref<32768x768xf32, #tpu.memory_space<hbm>>) dst(%dma_wait3A_91 : memref<32x768xf32, #tpu.memory_space<vmem>>)
      %mul3A_98 = arith.constant 32 : i32
      %mul3A_99 = arith.muli %add3A_73, %mul3A_98 : i32
      %add3A_100 = arith.addi %mul3A_2, %mul3A_99 : i32
      %dma_start3A_101 = arith.constant 0 : i32
      %dma_start3A_102 = arith.constant 0 : i32
      %dma_start3A_103 = arith.constant 0 : i32
      %dma_start3A_104 = tpu.memref_slice %arg8[%dma_start3A_101, %dma_start3A_102, %dma_start3A_103] : memref<2x32x1536xf32, #tpu.memory_space<vmem>> -> memref<1x32x1536xf32, #tpu.memory_space<vmem>>
      %dma_start3A_105 = tpu.memref_squeeze %dma_start3A_104 : memref<1x32x1536xf32, #tpu.memory_space<vmem>> -> memref<32x1536xf32, #tpu.memory_space<vmem>>
      %dma_start3A_106 = arith.constant 0 : i32
      %dma_start3A_107 = tpu.memref_slice %arg6[%add3A_100, %dma_start3A_106] : memref<32768x1536xf32, #tpu.memory_space<hbm>> -> memref<32x1536xf32, #tpu.memory_space<hbm>>
      %dma_start3A_108 = arith.constant 0 : i32
      %dma_start3A_109 = tpu.memref_slice %arg6[%add3A_100, %dma_start3A_108] : memref<32768x1536xf32, #tpu.memory_space<hbm>> -> memref<32x1536xf32, #tpu.memory_space<hbm>>
      %dma_start3A_110 = arith.constant 0 : i32
      %dma_start3A_111 = arith.constant 0 : i32
      %dma_start3A_112 = tpu.memref_slice %arg8[%dma_start3A_101, %dma_start3A_110, %dma_start3A_111] : memref<2x32x1536xf32, #tpu.memory_space<vmem>> -> memref<1x32x1536xf32, #tpu.memory_space<vmem>>
      %dma_start3A_113 = tpu.memref_squeeze %dma_start3A_112 : memref<1x32x1536xf32, #tpu.memory_space<vmem>> -> memref<32x1536xf32, #tpu.memory_space<vmem>>
      tpu.enqueue_dma source(%dma_start3A_113 : memref<32x1536xf32, #tpu.memory_space<vmem>>) target(%dma_start3A_109 : memref<32x1536xf32, #tpu.memory_space<hbm>>) target_semaphore(%arg11 : memref<!tpu.dma_semaphore, #tpu.memory_space<semaphore_mem>>)
      %add3A_114 = arith.constant 1 : i32
      %add3A_115 = arith.addi %add3A_73, %add3A_114 : i32
      %lt3A = arith.constant 32 : i32
      %lt3A_116 = arith.cmpi slt, %add3A_115, %lt3A : i32
      %convert_element_type3A = arith.extui %lt3A_116 : i1 to i32
      %cond3A = arith.constant 0 : i32
      %cond3A_117 = arith.cmpi ne, %convert_element_type3A, %cond3A : i32
      scf.if %cond3A_117 {
        %ge3A = arith.constant 1 : i32
        %ge3A_169 = arith.cmpi sge, %add3A_73, %ge3A : i32
        %convert_element_type3A_170 = arith.extui %ge3A_169 : i1 to i32
        %cond3A_171 = arith.constant 0 : i32
        %cond3A_172 = arith.cmpi ne, %convert_element_type3A_170, %cond3A_171 : i32
        scf.if %cond3A_172 {
          %sub3A_199 = arith.constant 1 : i32
          %sub3A_200 = arith.subi %add3A_73, %sub3A_199 : i32
          %mul3A_201 = arith.constant 32 : i32
          %mul3A_202 = arith.muli %sub3A_200, %mul3A_201 : i32
          %add3A_203 = arith.addi %mul3A_2, %mul3A_202 : i32
          %dma_wait3A_204 = arith.constant 1 : i32
          %dma_wait3A_205 = arith.constant 0 : i32
          %dma_wait3A_206 = arith.constant 0 : i32
          %dma_wait3A_207 = tpu.memref_slice %arg8[%dma_wait3A_204, %dma_wait3A_205, %dma_wait3A_206] : memref<2x32x1536xf32, #tpu.memory_space<vmem>> -> memref<1x32x1536xf32, #tpu.memory_space<vmem>>
          %dma_wait3A_208 = tpu.memref_squeeze %dma_wait3A_207 : memref<1x32x1536xf32, #tpu.memory_space<vmem>> -> memref<32x1536xf32, #tpu.memory_space<vmem>>
          %dma_wait3A_209 = arith.constant 0 : i32
          %dma_wait3A_210 = tpu.memref_slice %arg6[%add3A_203, %dma_wait3A_209] : memref<32768x1536xf32, #tpu.memory_space<hbm>> -> memref<32x1536xf32, #tpu.memory_space<hbm>>
          %dma_wait3A_211 = arith.constant 0 : i32
          %dma_wait3A_212 = tpu.memref_slice %arg6[%add3A_203, %dma_wait3A_211] : memref<32768x1536xf32, #tpu.memory_space<hbm>> -> memref<32x1536xf32, #tpu.memory_space<hbm>>
          %dma_wait3A_213 = arith.constant 0 : i32
          %dma_wait3A_214 = arith.constant 0 : i32
          %dma_wait3A_215 = tpu.memref_slice %arg8[%dma_wait3A_204, %dma_wait3A_213, %dma_wait3A_214] : memref<2x32x1536xf32, #tpu.memory_space<vmem>> -> memref<1x32x1536xf32, #tpu.memory_space<vmem>>
          %dma_wait3A_216 = tpu.memref_squeeze %dma_wait3A_215 : memref<1x32x1536xf32, #tpu.memory_space<vmem>> -> memref<32x1536xf32, #tpu.memory_space<vmem>>
          tpu.wait_dma2 semaphore(%arg12 : memref<!tpu.dma_semaphore, #tpu.memory_space<semaphore_mem>>) src(%dma_wait3A_216 : memref<32x1536xf32, #tpu.memory_space<vmem>>) dst(%dma_wait3A_212 : memref<32x1536xf32, #tpu.memory_space<hbm>>)
        } else {
        }
        %add3A_173 = arith.constant 1 : i32
        %add3A_174 = arith.addi %add3A_73, %add3A_173 : i32
        %add3A_175 = arith.constant 32 : i32
        %add3A_176 = arith.addi %add3A_175, %add3A_174 : i32
        %dma_start3A_177 = arith.constant 1 : i32
        %dma_start3A_178 = arith.constant 0 : i32
        %dma_start3A_179 = arith.constant 0 : i32
        %dma_start3A_180 = tpu.memref_slice %arg8[%dma_start3A_177, %dma_start3A_178, %dma_start3A_179] : memref<2x32x1536xf32, #tpu.memory_space<vmem>> -> memref<1x32x768xf32, #tpu.memory_space<vmem>>
        %dma_start3A_181 = tpu.memref_squeeze %dma_start3A_180 : memref<1x32x768xf32, #tpu.memory_space<vmem>> -> memref<32x768xf32, #tpu.memory_space<vmem>>
        %dma_start3A_182 = arith.constant 0 : i32
        %dma_start3A_183 = tpu.memref_slice %arg7[%add3A_174, %dma_start3A_182] : memref<64x32xi32, #tpu.memory_space<vmem>> -> memref<1x32xi32, #tpu.memory_space<vmem>>
        %dma_start3A_184 = tpu.memref_squeeze %dma_start3A_183 : memref<1x32xi32, #tpu.memory_space<vmem>> -> memref<32xi32, #tpu.memory_space<vmem>>
        %dma_start3A_185 = arith.constant 0 : i32
        %dma_start3A_186 = arith.constant 0 : i32
        %dma_start3A_187 = tpu.memref_slice %arg2[%dma_start3A_185, %dma_start3A_186] : memref<32768x768xf32, #tpu.memory_space<hbm>> -> memref<32768x768xf32, #tpu.memory_space<hbm>>
        tpu.enqueue_indirect_dma source(%dma_start3A_187 : memref<32768x768xf32, #tpu.memory_space<hbm>>) target(%dma_start3A_181 : memref<32x768xf32, #tpu.memory_space<vmem>>) offsets(%dma_start3A_184 : memref<32xi32, #tpu.memory_space<vmem>>) semaphore(%arg10 : memref<!tpu.dma_semaphore, #tpu.memory_space<semaphore_mem>>)
        %dma_start3A_188 = arith.constant 1 : i32
        %dma_start3A_189 = arith.constant 0 : i32
        %dma_start3A_190 = arith.constant 768 : i32
        %dma_start3A_191 = tpu.memref_slice %arg8[%dma_start3A_188, %dma_start3A_189, %dma_start3A_190] : memref<2x32x1536xf32, #tpu.memory_space<vmem>> -> memref<1x32x768xf32, #tpu.memory_space<vmem>>
        %dma_start3A_192 = tpu.memref_squeeze %dma_start3A_191 : memref<1x32x768xf32, #tpu.memory_space<vmem>> -> memref<32x768xf32, #tpu.memory_space<vmem>>
        %dma_start3A_193 = arith.constant 0 : i32
        %dma_start3A_194 = tpu.memref_slice %arg7[%add3A_176, %dma_start3A_193] : memref<64x32xi32, #tpu.memory_space<vmem>> -> memref<1x32xi32, #tpu.memory_space<vmem>>
        %dma_start3A_195 = tpu.memref_squeeze %dma_start3A_194 : memref<1x32xi32, #tpu.memory_space<vmem>> -> memref<32xi32, #tpu.memory_space<vmem>>
        %dma_start3A_196 = arith.constant 0 : i32
        %dma_start3A_197 = arith.constant 0 : i32
        %dma_start3A_198 = tpu.memref_slice %arg3[%dma_start3A_196, %dma_start3A_197] : memref<32768x768xf32, #tpu.memory_space<hbm>> -> memref<32768x768xf32, #tpu.memory_space<hbm>>
        tpu.enqueue_indirect_dma source(%dma_start3A_198 : memref<32768x768xf32, #tpu.memory_space<hbm>>) target(%dma_start3A_192 : memref<32x768xf32, #tpu.memory_space<vmem>>) offsets(%dma_start3A_195 : memref<32xi32, #tpu.memory_space<vmem>>) semaphore(%arg10 : memref<!tpu.dma_semaphore, #tpu.memory_space<semaphore_mem>>)
      } else {
      }
      %mul3A_118 = arith.constant 2 : i32
      %mul3A_119 = arith.muli %mul3A_118, %scan3A_69 : i32
      %add3A_120 = arith.constant 1 : i32
      %add3A_121 = arith.addi %mul3A_119, %add3A_120 : i32
      %add3A_122 = arith.constant 32 : i32
      %add3A_123 = arith.addi %add3A_122, %add3A_121 : i32
      %dma_wait3A_124 = arith.constant 1 : i32
      %dma_wait3A_125 = arith.constant 0 : i32
      %dma_wait3A_126 = arith.constant 0 : i32
      %dma_wait3A_127 = tpu.memref_slice %arg8[%dma_wait3A_124, %dma_wait3A_125, %dma_wait3A_126] : memref<2x32x1536xf32, #tpu.memory_space<vmem>> -> memref<1x32x768xf32, #tpu.memory_space<vmem>>
      %dma_wait3A_128 = tpu.memref_squeeze %dma_wait3A_127 : memref<1x32x768xf32, #tpu.memory_space<vmem>> -> memref<32x768xf32, #tpu.memory_space<vmem>>
      %dma_wait3A_129 = arith.constant 0 : i32
      %dma_wait3A_130 = tpu.memref_slice %arg7[%add3A_121, %dma_wait3A_129] : memref<64x32xi32, #tpu.memory_space<vmem>> -> memref<1x32xi32, #tpu.memory_space<vmem>>
      %dma_wait3A_131 = tpu.memref_squeeze %dma_wait3A_130 : memref<1x32xi32, #tpu.memory_space<vmem>> -> memref<32xi32, #tpu.memory_space<vmem>>
      %dma_wait3A_132 = arith.constant 0 : i32
      %dma_wait3A_133 = arith.constant 0 : i32
      %dma_wait3A_134 = tpu.memref_slice %arg2[%dma_wait3A_132, %dma_wait3A_133] : memref<32768x768xf32, #tpu.memory_space<hbm>> -> memref<32768x768xf32, #tpu.memory_space<hbm>>
      tpu.wait_indirect_dma semaphore(%arg10 : memref<!tpu.dma_semaphore, #tpu.memory_space<semaphore_mem>>) src(%dma_wait3A_134 : memref<32768x768xf32, #tpu.memory_space<hbm>>) dst(%dma_wait3A_128 : memref<32x768xf32, #tpu.memory_space<vmem>>)
      %dma_wait3A_135 = arith.constant 1 : i32
      %dma_wait3A_136 = arith.constant 0 : i32
      %dma_wait3A_137 = arith.constant 768 : i32
      %dma_wait3A_138 = tpu.memref_slice %arg8[%dma_wait3A_135, %dma_wait3A_136, %dma_wait3A_137] : memref<2x32x1536xf32, #tpu.memory_space<vmem>> -> memref<1x32x768xf32, #tpu.memory_space<vmem>>
      %dma_wait3A_139 = tpu.memref_squeeze %dma_wait3A_138 : memref<1x32x768xf32, #tpu.memory_space<vmem>> -> memref<32x768xf32, #tpu.memory_space<vmem>>
      %dma_wait3A_140 = arith.constant 0 : i32
      %dma_wait3A_141 = tpu.memref_slice %arg7[%add3A_123, %dma_wait3A_140] : memref<64x32xi32, #tpu.memory_space<vmem>> -> memref<1x32xi32, #tpu.memory_space<vmem>>
      %dma_wait3A_142 = tpu.memref_squeeze %dma_wait3A_141 : memref<1x32xi32, #tpu.memory_space<vmem>> -> memref<32xi32, #tpu.memory_space<vmem>>
      %dma_wait3A_143 = arith.constant 0 : i32
      %dma_wait3A_144 = arith.constant 0 : i32
      %dma_wait3A_145 = tpu.memref_slice %arg3[%dma_wait3A_143, %dma_wait3A_144] : memref<32768x768xf32, #tpu.memory_space<hbm>> -> memref<32768x768xf32, #tpu.memory_space<hbm>>
      tpu.wait_indirect_dma semaphore(%arg10 : memref<!tpu.dma_semaphore, #tpu.memory_space<semaphore_mem>>) src(%dma_wait3A_145 : memref<32768x768xf32, #tpu.memory_space<hbm>>) dst(%dma_wait3A_139 : memref<32x768xf32, #tpu.memory_space<vmem>>)
      %mul3A_146 = arith.constant 32 : i32
      %mul3A_147 = arith.muli %add3A_121, %mul3A_146 : i32
      %add3A_148 = arith.addi %mul3A_2, %mul3A_147 : i32
      %dma_start3A_149 = arith.constant 1 : i32
      %dma_start3A_150 = arith.constant 0 : i32
      %dma_start3A_151 = arith.constant 0 : i32
      %dma_start3A_152 = tpu.memref_slice %arg8[%dma_start3A_149, %dma_start3A_150, %dma_start3A_151] : memref<2x32x1536xf32, #tpu.memory_space<vmem>> -> memref<1x32x1536xf32, #tpu.memory_space<vmem>>
      %dma_start3A_153 = tpu.memref_squeeze %dma_start3A_152 : memref<1x32x1536xf32, #tpu.memory_space<vmem>> -> memref<32x1536xf32, #tpu.memory_space<vmem>>
      %dma_start3A_154 = arith.constant 0 : i32
      %dma_start3A_155 = tpu.memref_slice %arg6[%add3A_148, %dma_start3A_154] : memref<32768x1536xf32, #tpu.memory_space<hbm>> -> memref<32x1536xf32, #tpu.memory_space<hbm>>
      %dma_start3A_156 = arith.constant 0 : i32
      %dma_start3A_157 = tpu.memref_slice %arg6[%add3A_148, %dma_start3A_156] : memref<32768x1536xf32, #tpu.memory_space<hbm>> -> memref<32x1536xf32, #tpu.memory_space<hbm>>
      %dma_start3A_158 = arith.constant 0 : i32
      %dma_start3A_159 = arith.constant 0 : i32
      %dma_start3A_160 = tpu.memref_slice %arg8[%dma_start3A_149, %dma_start3A_158, %dma_start3A_159] : memref<2x32x1536xf32, #tpu.memory_space<vmem>> -> memref<1x32x1536xf32, #tpu.memory_space<vmem>>
      %dma_start3A_161 = tpu.memref_squeeze %dma_start3A_160 : memref<1x32x1536xf32, #tpu.memory_space<vmem>> -> memref<32x1536xf32, #tpu.memory_space<vmem>>
      tpu.enqueue_dma source(%dma_start3A_161 : memref<32x1536xf32, #tpu.memory_space<vmem>>) target(%dma_start3A_157 : memref<32x1536xf32, #tpu.memory_space<hbm>>) target_semaphore(%arg12 : memref<!tpu.dma_semaphore, #tpu.memory_space<semaphore_mem>>)
      %add3A_162 = arith.constant 1 : i32
      %add3A_163 = arith.addi %add3A_121, %add3A_162 : i32
      %lt3A_164 = arith.constant 32 : i32
      %lt3A_165 = arith.cmpi slt, %add3A_163, %lt3A_164 : i32
      %convert_element_type3A_166 = arith.extui %lt3A_165 : i1 to i32
      %cond3A_167 = arith.constant 0 : i32
      %cond3A_168 = arith.cmpi ne, %convert_element_type3A_166, %cond3A_167 : i32
      scf.if %cond3A_168 {
        %ge3A = arith.constant 1 : i32
        %ge3A_169 = arith.cmpi sge, %add3A_121, %ge3A : i32
        %convert_element_type3A_170 = arith.extui %ge3A_169 : i1 to i32
        %cond3A_171 = arith.constant 0 : i32
        %cond3A_172 = arith.cmpi ne, %convert_element_type3A_170, %cond3A_171 : i32
        scf.if %cond3A_172 {
          %sub3A_199 = arith.constant 1 : i32
          %sub3A_200 = arith.subi %add3A_121, %sub3A_199 : i32
          %mul3A_201 = arith.constant 32 : i32
          %mul3A_202 = arith.muli %sub3A_200, %mul3A_201 : i32
          %add3A_203 = arith.addi %mul3A_2, %mul3A_202 : i32
          %dma_wait3A_204 = arith.constant 0 : i32
          %dma_wait3A_205 = arith.constant 0 : i32
          %dma_wait3A_206 = arith.constant 0 : i32
          %dma_wait3A_207 = tpu.memref_slice %arg8[%dma_wait3A_204, %dma_wait3A_205, %dma_wait3A_206] : memref<2x32x1536xf32, #tpu.memory_space<vmem>> -> memref<1x32x1536xf32, #tpu.memory_space<vmem>>
          %dma_wait3A_208 = tpu.memref_squeeze %dma_wait3A_207 : memref<1x32x1536xf32, #tpu.memory_space<vmem>> -> memref<32x1536xf32, #tpu.memory_space<vmem>>
          %dma_wait3A_209 = arith.constant 0 : i32
          %dma_wait3A_210 = tpu.memref_slice %arg6[%add3A_203, %dma_wait3A_209] : memref<32768x1536xf32, #tpu.memory_space<hbm>> -> memref<32x1536xf32, #tpu.memory_space<hbm>>
          %dma_wait3A_211 = arith.constant 0 : i32
          %dma_wait3A_212 = tpu.memref_slice %arg6[%add3A_203, %dma_wait3A_211] : memref<32768x1536xf32, #tpu.memory_space<hbm>> -> memref<32x1536xf32, #tpu.memory_space<hbm>>
          %dma_wait3A_213 = arith.constant 0 : i32
          %dma_wait3A_214 = arith.constant 0 : i32
          %dma_wait3A_215 = tpu.memref_slice %arg8[%dma_wait3A_204, %dma_wait3A_213, %dma_wait3A_214] : memref<2x32x1536xf32, #tpu.memory_space<vmem>> -> memref<1x32x1536xf32, #tpu.memory_space<vmem>>
          %dma_wait3A_216 = tpu.memref_squeeze %dma_wait3A_215 : memref<1x32x1536xf32, #tpu.memory_space<vmem>> -> memref<32x1536xf32, #tpu.memory_space<vmem>>
          tpu.wait_dma2 semaphore(%arg11 : memref<!tpu.dma_semaphore, #tpu.memory_space<semaphore_mem>>) src(%dma_wait3A_216 : memref<32x1536xf32, #tpu.memory_space<vmem>>) dst(%dma_wait3A_212 : memref<32x1536xf32, #tpu.memory_space<hbm>>)
        } else {
        }
        %add3A_173 = arith.constant 1 : i32
        %add3A_174 = arith.addi %add3A_121, %add3A_173 : i32
        %add3A_175 = arith.constant 32 : i32
        %add3A_176 = arith.addi %add3A_175, %add3A_174 : i32
        %dma_start3A_177 = arith.constant 0 : i32
        %dma_start3A_178 = arith.constant 0 : i32
        %dma_start3A_179 = arith.constant 0 : i32
        %dma_start3A_180 = tpu.memref_slice %arg8[%dma_start3A_177, %dma_start3A_178, %dma_start3A_179] : memref<2x32x1536xf32, #tpu.memory_space<vmem>> -> memref<1x32x768xf32, #tpu.memory_space<vmem>>
        %dma_start3A_181 = tpu.memref_squeeze %dma_start3A_180 : memref<1x32x768xf32, #tpu.memory_space<vmem>> -> memref<32x768xf32, #tpu.memory_space<vmem>>
        %dma_start3A_182 = arith.constant 0 : i32
        %dma_start3A_183 = tpu.memref_slice %arg7[%add3A_174, %dma_start3A_182] : memref<64x32xi32, #tpu.memory_space<vmem>> -> memref<1x32xi32, #tpu.memory_space<vmem>>
        %dma_start3A_184 = tpu.memref_squeeze %dma_start3A_183 : memref<1x32xi32, #tpu.memory_space<vmem>> -> memref<32xi32, #tpu.memory_space<vmem>>
        %dma_start3A_185 = arith.constant 0 : i32
        %dma_start3A_186 = arith.constant 0 : i32
        %dma_start3A_187 = tpu.memref_slice %arg2[%dma_start3A_185, %dma_start3A_186] : memref<32768x768xf32, #tpu.memory_space<hbm>> -> memref<32768x768xf32, #tpu.memory_space<hbm>>
        tpu.enqueue_indirect_dma source(%dma_start3A_187 : memref<32768x768xf32, #tpu.memory_space<hbm>>) target(%dma_start3A_181 : memref<32x768xf32, #tpu.memory_space<vmem>>) offsets(%dma_start3A_184 : memref<32xi32, #tpu.memory_space<vmem>>) semaphore(%arg9 : memref<!tpu.dma_semaphore, #tpu.memory_space<semaphore_mem>>)
        %dma_start3A_188 = arith.constant 0 : i32
        %dma_start3A_189 = arith.constant 0 : i32
        %dma_start3A_190 = arith.constant 768 : i32
        %dma_start3A_191 = tpu.memref_slice %arg8[%dma_start3A_188, %dma_start3A_189, %dma_start3A_190] : memref<2x32x1536xf32, #tpu.memory_space<vmem>> -> memref<1x32x768xf32, #tpu.memory_space<vmem>>
        %dma_start3A_192 = tpu.memref_squeeze %dma_start3A_191 : memref<1x32x768xf32, #tpu.memory_space<vmem>> -> memref<32x768xf32, #tpu.memory_space<vmem>>
        %dma_start3A_193 = arith.constant 0 : i32
        %dma_start3A_194 = tpu.memref_slice %arg7[%add3A_176, %dma_start3A_193] : memref<64x32xi32, #tpu.memory_space<vmem>> -> memref<1x32xi32, #tpu.memory_space<vmem>>
        %dma_start3A_195 = tpu.memref_squeeze %dma_start3A_194 : memref<1x32xi32, #tpu.memory_space<vmem>> -> memref<32xi32, #tpu.memory_space<vmem>>
        %dma_start3A_196 = arith.constant 0 : i32
        %dma_start3A_197 = arith.constant 0 : i32
        %dma_start3A_198 = tpu.memref_slice %arg3[%dma_start3A_196, %dma_start3A_197] : memref<32768x768xf32, #tpu.memory_space<hbm>> -> memref<32768x768xf32, #tpu.memory_space<hbm>>
        tpu.enqueue_indirect_dma source(%dma_start3A_198 : memref<32768x768xf32, #tpu.memory_space<hbm>>) target(%dma_start3A_192 : memref<32x768xf32, #tpu.memory_space<vmem>>) offsets(%dma_start3A_195 : memref<32xi32, #tpu.memory_space<vmem>>) semaphore(%arg9 : memref<!tpu.dma_semaphore, #tpu.memory_space<semaphore_mem>>)
      } else {
      }
    }
    %scan3A_54 = arith.constant 16 : i32
    %add3A_55 = arith.constant 992 : i32
    %add3A_56 = arith.addi %mul3A_2, %add3A_55 : i32
    %dma_wait3A = arith.constant 1 : i32
    %dma_wait3A_57 = arith.constant 0 : i32
    %dma_wait3A_58 = arith.constant 0 : i32
    %dma_wait3A_59 = tpu.memref_slice %arg8[%dma_wait3A, %dma_wait3A_57, %dma_wait3A_58] : memref<2x32x1536xf32, #tpu.memory_space<vmem>> -> memref<1x32x1536xf32, #tpu.memory_space<vmem>>
    %dma_wait3A_60 = tpu.memref_squeeze %dma_wait3A_59 : memref<1x32x1536xf32, #tpu.memory_space<vmem>> -> memref<32x1536xf32, #tpu.memory_space<vmem>>
    %dma_wait3A_61 = arith.constant 0 : i32
    %dma_wait3A_62 = tpu.memref_slice %arg6[%add3A_56, %dma_wait3A_61] : memref<32768x1536xf32, #tpu.memory_space<hbm>> -> memref<32x1536xf32, #tpu.memory_space<hbm>>
    %dma_wait3A_63 = arith.constant 0 : i32
    %dma_wait3A_64 = tpu.memref_slice %arg6[%add3A_56, %dma_wait3A_63] : memref<32768x1536xf32, #tpu.memory_space<hbm>> -> memref<32x1536xf32, #tpu.memory_space<hbm>>
    %dma_wait3A_65 = arith.constant 0 : i32
    %dma_wait3A_66 = arith.constant 0 : i32
    %dma_wait3A_67 = tpu.memref_slice %arg8[%dma_wait3A, %dma_wait3A_65, %dma_wait3A_66] : memref<2x32x1536xf32, #tpu.memory_space<vmem>> -> memref<1x32x1536xf32, #tpu.memory_space<vmem>>
    %dma_wait3A_68 = tpu.memref_squeeze %dma_wait3A_67 : memref<1x32x1536xf32, #tpu.memory_space<vmem>> -> memref<32x1536xf32, #tpu.memory_space<vmem>>
    tpu.wait_dma2 semaphore(%arg12 : memref<!tpu.dma_semaphore, #tpu.memory_space<semaphore_mem>>) src(%dma_wait3A_68 : memref<32x1536xf32, #tpu.memory_space<vmem>>) dst(%dma_wait3A_64 : memref<32x1536xf32, #tpu.memory_space<hbm>>)
    return
  }
}

</mosaic_0001>

<sc_bundles>
// kernel: kernel.3.cloned.1.call-start
scs
__scs_entry_jumppad:
0x0: {  	(pc) =	sbr.rel $0x88, $3  }
0x1: {  	(tag) =	ssettag $0x0;
	lr =	simm.s32 $0x1  }
0x2: {  	[smem:$0x3F9D] =	sst lr;
	_ =	strace $0xD0000000  }
0x3: {  	_ = 	snop  }
0x4: {  	_ = 	snop  }
0x5: {  	_ = 	snop  }
0x6: {  	_ = 	snop  }
0x7: {  	_ = 	snop  }
__scs_overlays_trampoline_lowered:
0x8: {  	[smem:$0x3FAC] =	sst s0  }
0x9: {  	[smem:$0x3FAD] =	sst s1  }
0xa: {  	[smem:$0x3FAE] =	sst s2  }
0xb: {  	[smem:$0x3FAF] =	sst s3  }
0xc: {  	[smem:$0x3FB0] =	sst s4  }
0xd: {  	[smem:$0x3FB1] =	sst s5  }
0xe: {  	[smem:$0x3FB2] =	sst s6  }
0xf: {  	[smem:$0x3FB3] =	sst s7  }
0x10: {  	[smem:$0x3FB4] =	sst s8  }
0x11: {  	[smem:$0x3FB5] =	sst s9;
	s0 =	simm.s32 @!p0 $0x0  }
0x12: {  	s1 =	sld [smem:$0x3F9B];
	s0 =	simm.s32 @p0 $0x1  }
0x13: {  	[smem:$0x3FB6] =	sst s0;
	s0 =	simm.s32 @!p1 $0x0  }
0x14: {  	s2 =	sld [smem:$0x3F9A];
	s0 =	simm.s32 @p1 $0x1  }
0x15: {  	[smem:$0x3FB7] =	sst s0;
	s0 =	simm.s32 @!p2 $0x0  }
0x16: {  	s3 =	sld [smem:$0x3FDB];
	s0 =	simm.s32 @p2 $0x1  }
0x17: {  	s4 =	simm.s32 $0x1BF5;
	[smem:$0x3FB9] =	sst s0  }
0x18: {  	s0 =	sld [smem:$0x3F9C];
	_ =	swait.ge [sflag:s4], $0x0  }
0x19: {  	s7 =	sld [smem:$0x3F9D]  }
0x1a: {  	s8 =	sadd.s32 $0xFFFFE003, lr  }
0x1b: {  	s9 =	sadd.s32 $0xFFFFFEF7, lr;
	s5 =	simm.s32 $0xFFFFFFFF;
	p2 =	slt.u32 s8, $0xFFFFF086  }
0x1c: {  	p1 =	slt.u32 s9, $0xF7A;
	s5 =	simm.s32 @!p2 $0x0  }
0x1d: {  	s5 =	simm.s32 @p1 $0x1;
	p0 =	seq.s32 s7, s2  }
0x1e: {  	s7 =	smul.u32 @!p0 $0xF7A, s2;
	p2 =	seq.s32 @!p0 s5, $0x0  }
0x1f: {  	s9 =	smul.u32 $0xF7A, s1;
	s8 =	simm.s32 @!p0 $0x1BF5;
	p2 =	por !p2, p0  }
0x20: {  	[sflag:s8] =	ssyncset.s32 @!p0 $0xFFFFF086;
	s6 =	sadd.s32 @!p0 s3, s7;
	s7 =	simm.s32 @!p0 $0x108  }
0x21: {  	s3 =	sadd.s32 s3, s9;
	s6 =	sadd.s32 @!p0 $0x88, s6;
	s7 =	simm.s32 @p2 $0x1082  }
0x22: {  	[simem:s7], [sflag:s8] =	dma.local @!p0 [hbm:s6], $0xF7A  }
0x23: {  	s9 =	sor.u32 $0xD0000000, s2;
	s6 =	simm.s32 $0x108;
	_ =	swait.ge @!p0 [sflag:s8], $0x0  }
0x24: {  	s3 =	sadd.s32 $0x88, s3;
	s6 =	simm.s32 @!p1 $0x1082;
	[sflag:s4] =	ssyncset.s32 $0xFFFFF086  }
0x25: {  	[simem:s6], [sflag:s4] =	dma.local [hbm:s3], $0xF7A  }
0x26: {  	[smem:$0x3F9D] =	sst s1;
	(tag) =	ssettag s2;
	_ =	strace s9  }
0x27: {  	s1 =	sld [smem:$0x3FAD]  }
0x28: {  	s2 =	sld [smem:$0x3FAE]  }
0x29: {  	s4 =	sld [smem:$0x3FB0]  }
0x2a: {  	p0 =	seq.s32 s5, $0x0;
	s5 =	sld [smem:$0x3FB1]  }
0x2b: {  	s6 =	sld [smem:$0x3FB2]  }
0x2c: {  	s7 =	sld [smem:$0x3FB3]  }
0x2d: {  	s3 =	simm.s32 $0x108;
	s8 =	sld [smem:$0x3FB4]  }
0x2e: {  	s3 =	simm.s32 @!p0 $0x1082;
	s9 =	sld [smem:$0x3FB5]  }
0x2f: {  	lr =	sadd.s32 s0, s3;
	s0 =	sld [smem:$0x3FAC]  }
0x30: {  	s3 =	sld [smem:$0x3FAF]  }
0x31: {  	[smem:$0x3FB8] =	sst s10  }
0x32: {  	s10 =	sld [smem:$0x3FB6];
	_ =	sdelay $0x3  }
0x33: {  	p0 =	seq.s32 s10, $0x1;
	s10 =	sld [smem:$0x3FB8];
	_ =	sdelay $0x3  }
0x34: {  	[smem:$0x3FB8] =	sst s10  }
0x35: {  	s10 =	sld [smem:$0x3FB7];
	_ =	sdelay $0x3  }
0x36: {  	p1 =	seq.s32 s10, $0x1;
	s10 =	sld [smem:$0x3FB8];
	_ =	sdelay $0x3  }
0x37: {  	[smem:$0x3FB8] =	sst s10  }
0x38: {  	s10 =	sld [smem:$0x3FB9]  }
0x39: {  	_ = 	snop;
	(pc) =	sbr.ind lr, $3  }
0x3a: {  	_ = 	snop  }
0x3b: {  	_ = 	snop  }
0x3c: {  	p2 =	seq.s32 s10, $0x1;
	s10 =	sld [smem:$0x3FB8]  }
0x3d: {  	_ =	shalt  }
0x3e: {  	_ =	shalt  }
0x3f: {  	_ =	shalt  }
0x40: {  	_ =	shalt  }
0x41: {  	_ =	shalt  }
0x42: {  	_ =	shalt  }
0x43: {  	_ =	shalt  }
0x44: {  	_ =	shalt  }
0x45: {  	_ =	shalt  }
0x46: {  	_ =	shalt  }
0x47: {  	_ =	shalt  }
0x48: {  	_ =	shalt  }
0x49: {  	_ =	shalt  }
0x4a: {  	_ =	shalt  }
0x4b: {  	_ =	shalt  }
0x4c: {  	_ =	shalt  }
0x4d: {  	_ =	shalt  }
0x4e: {  	_ =	shalt  }
0x4f: {  	_ =	shalt  }
0x50: {  	_ =	shalt  }
0x51: {  	_ =	shalt  }
0x52: {  	_ =	shalt  }
0x53: {  	_ =	shalt  }
0x54: {  	_ =	shalt  }
0x55: {  	_ =	shalt  }
0x56: {  	_ =	shalt  }
0x57: {  	_ =	shalt  }
0x58: {  	_ =	shalt  }
0x59: {  	_ =	shalt  }
0x5a: {  	_ =	shalt  }
0x5b: {  	_ =	shalt  }
0x5c: {  	_ =	shalt  }
0x5d: {  	_ =	shalt  }
0x5e: {  	_ =	shalt  }
0x5f: {  	_ =	shalt  }
0x60: {  	_ =	shalt  }
0x61: {  	_ =	shalt  }
0x62: {  	_ =	shalt  }
0x63: {  	_ =	shalt  }
0x64: {  	_ =	shalt  }
0x65: {  	_ =	shalt  }
0x66: {  	_ =	shalt  }
0x67: {  	_ =	shalt  }
0x68: {  	_ =	shalt  }
0x69: {  	_ =	shalt  }
0x6a: {  	_ =	shalt  }
0x6b: {  	_ =	shalt  }
0x6c: {  	_ =	shalt  }
0x6d: {  	_ =	shalt  }
0x6e: {  	_ =	shalt  }
0x6f: {  	_ =	shalt  }
0x70: {  	_ =	shalt  }
0x71: {  	_ =	shalt  }
0x72: {  	_ =	shalt  }
0x73: {  	_ =	shalt  }
0x74: {  	_ =	shalt  }
0x75: {  	_ =	shalt  }
0x76: {  	_ =	shalt  }
0x77: {  	_ =	shalt  }
0x78: {  	_ =	shalt  }
0x79: {  	_ =	shalt  }
0x7a: {  	_ =	shalt  }
0x7b: {  	_ =	shalt  }
0x7c: {  	_ =	shalt  }
0x7d: {  	_ =	shalt  }
0x7e: {  	_ =	shalt  }
0x7f: {  	_ =	shalt  }
0x80: {  	_ =	shalt  }
0x81: {  	_ =	shalt  }
0x82: {  	_ =	shalt  }
0x83: {  	_ =	shalt  }
0x84: {  	_ =	shalt  }
0x85: {  	_ =	shalt  }
0x86: {  	_ =	shalt  }
0x87: {  	_ =	shalt  }
.Lfunc_end0:
.L_simem_size_0:
called_computation_lowered:
.L_overlay_start_0:
0x88: {  	s2 =	sld [smem:$0x3FD9]  }
0x89: {  	s3 =	sld [smem:$0x3FFE];
	_ =	sdelay $0x1  }
0x8a: {  	s1 =	srdreg.scid  }
0x8b: {  	s0 =	sand.u32 $0x1, s1  }
0x8c: {  	s17 =	sshll.u32 s0, $0xA;
	s2 =	sadd.s32 s3, s2  }
0x8d: {  	s2 =	sadd.s32 s2, s17  }
0x8e: {  	[smem:$0x3FC4] =	sst s2  }
0x8f: {  	_ = 	snop  }
0x90: {  	s2 =	sld [smem:$0x3FC9]  }
0x91: {  	s18 =	sld [smem:$0x3FC8]  }
0x92: {  	s4 =	sld [smem:$0x3FD0];
	(tm) =	ssettm $0x1  }
0x93: {  	s5 =	sld [smem:$0x3FFB];
	_ =	sdelay $0x3  }
0x94: {  	_ =	strace s5  }
0x95: {  	s5 =	sld [smem:$0x3FFC];
	_ =	sdelay $0x3  }
0x96: {  	_ =	strace s5  }
0x97: {  	s5 =	sld [smem:$0x3FFD];
	_ =	sdelay $0x3  }
0x98: {  	_ =	strace s5  }
0x99: {  	_ =	strace $0x8FFFFFFF  }
0x9a: {  	s19 =	sld [smem:$0x3FDB];
	_ =	sdelay $0x1  }
0x9b: {  	s6 =	simm.s32 $_scs_section_size  }
0x9c: {  	s7 =	simm.s32 $_size__tile_overlayer_lowered;
	s8 =	simm.s32 $_tile_overlayer_lowered  }
0x9d: {  	s22 =	simm.s32 $0x1BFF;
	s21 =	sshll.u32 s8, $0x1;
	s5 =	sadd.s32 s6, s19  }
0x9e: {  	s9 =	simm.s32 $0x0;
	s20 =	sshll.u32 s7, $0x1;
	s7 =	sadd.s32 s21, s5  }
0x9f: {  	[timem:s9], [sflag:s22] =	dma.local [hbm:s7], s20  }
0xa0: {  	_ =	swait.ge [sflag:s22], s20  }
0xa1: {  	s6 =	ssub.s32 $0x0, s20;
	[sflag:s22] =	ssyncset.done $0x0  }
0xa2: {  	[sflag:s22] =	ssyncadd.s32 s6;
	_ =	sdelay $0x1  }
0xa3: {  	s23 =	simm.s32 $0x1B8B  }
0xa4: {  	_ =	swait.ge [sflag:s23], $0x1  }
0xa5: {  	[sflag:s23] =	ssyncset.done $0x0  }
0xa6: {  	s25 =	simm.s32 $0x1B8E;
	s24 =	sld [smem:$0x3FFE];
	[sflag:s23] =	ssyncadd.s32 $0xFFFFFFFF  }
0xa7: {  	s26 =	simm.s32 $execute0_lowered;
	[smem:$0x3FD2] =	sst s25  }
0xa8: {  	s7 =	sshll.u32 s26, $0x1;
	_ =	strace $0x80000046;
	[dreg:$0x1] =	wrdreg $0xFFFFFFFF  }
0xa9: {  	s28 =	simm.s32 $_size_execute0_lowered;
	s5 =	sadd.s32 s5, s7;
	[dreg:$0x0] =	wrdreg $0x0  }
0xaa: {  	s7 =	sshll.u32 s28, $0x1;
	[dreg:$0x2] =	wrdreg s5  }
0xab: {  	[dreg:$0x3] =	wrdreg s7  }
0xac: {  	[dreg:$0x4] =	wrdreg $0xC0  }
0xad: {  	_ =	task [dreg:s9], $0x5FFFF  }
0xae: {  	[dreg:$0x1] =	wrdreg $0xFFFFFFFF  }
0xaf: {  	[dreg:$0x0] =	wrdreg $0x60  }
0xb0: {  	[dreg:$0x2] =	wrdreg s2  }
0xb1: {  	[dreg:$0x3] =	wrdreg s18  }
0xb2: {  	[dreg:$0x4] =	wrdreg s24  }
0xb3: {  	[dreg:$0x5] =	wrdreg s4  }
0xb4: {  	[dreg:$0x6] =	wrdreg $0x9  }
0xb5: {  	_ =	task.clear_ibuf [dreg:s9], $0x7FFFF;
	_ =	strace $0x90000046  }
0xb6: {  	s29 =	simm.s32 $0x9;
	_ =	strace $0x80000048  }
0xb7: {  	_ =	swait.ge [sflag:s29], $0x1  }
0xb8: {  	[sflag:s29] =	ssyncadd.s32 $0xFFFFFFFF  }
0xb9: {  	_ =	strace $0x90000048  }
0xba: {  	_ =	sfence  }
0xbb: {  	s30 =	sld [smem:$0x0];
	_ =	sdelay $0x2  }
0xbc: {  	s31 =	sshll.u32 s1, $0xD;
	s1 =	sshrl.u32 s1, $0x2  }
0xbd: {  	s3 =	sand.u32 $0x4000, s31;
	s1 =	sadd.s32 s1, s30  }
0xbe: {  	s0 =	sor.u32 s3, s0;
	s1 =	sshll.u32 s1, $0x11  }
0xbf: {  	s0 =	sor.u32 s1, s0  }
0xc0: {  	s0 =	sadd.s32 $0x8F2B, s0  }
0xc1: {  	[sflag:s0] =	ssyncadd.remote.s32 $0x1  }
0xc2: {  	_ =	sfence.sel $0xFFFF  }
0xc3: {  	[dreg:$0x0] =	wrdreg $0xFFFFFFFF;
	(pc) =	sbr.abs _section_cstart, $3  }
0xc4: {  	[dreg:$0x1] =	wrdreg $0xFFFFFFFF  }
0xc5: {  	_ =	task.clear_ibuf [dreg:s9], $0x2FFFF;
	_ =	strace $0x9FFFFFFF  }
0xc6: {  	(tm) =	ssettm $0x7FFFFFFF  }
0xc7: {  	_ =	shalt  }
tec
execute0_lowered:
.L_overlay_start_1:
0x0: {  	(tag) =	ssettag $0x1  }
0x1: {  	s1 =	rddreg [dreg:$0x0]  }
0x2: {  	s2 =	rddreg [dreg:$0x1]  }
0x3: {  	s0 =	rddreg [dreg:$0x2]  }
0x4: {  	s3 =	rddreg [dreg:$0x3];
	s4 =	simm.s32 $0x0  }
0x5: {  	s5 =	srdreg.scid;
	s9 =	stileid.u32;
	s16 =	simm.s32 $0x2000  }
0x6: {  	s19 =	simm.s32 $0x1;
	s20 =	simm.s32 $0xE000;
	s31 =	simm.s32 $0x17800  }
0x7: {  	s15 =	simm.s32 $0x10000;
	s11 =	simm.s32 $0x13000;
	s14 =	simm.s32 $0x13800  }
0x8: {  	s17 =	simm.s32 $0x15800;
	s18 =	simm.s32 $0x16000;
	s21 =	simm.s32 $0x16800  }
0x9: {  	s22 =	simm.s32 $0x18800;
	s30 =	simm.s32 $0x0;
	[smem:$0x7FF] =	sst s4  }
0xa: {  	s5 =	sand.u32 $0x1, s5;
	s6 =	sshll.u32 s9, $0xA;
	s9 =	sshll.u32 s9, $0xB  }
0xb: {  	s10 =	sadd.s32 $0x200, s2;
	_ =	strace $0x80000047;
	s7 =	sshll.u32 s5, $0x9  }
0xc: {  	s8 =	ssub.s32 $0x2, s5;
	s5 =	sshll.u32 s5, $0xA;
	s23 =	sand.u32 $0x6000, s9  }
0xd: {  	s6 =	sor.u32 s7, s6;
	s24 =	sshrl.u32 s8, $0x1;
	s5 =	sor.u32 s5, s9  }
0xe: {  	s9 =	sadd.s32 $0x100, s2;
	v0 =	vmov s23;
	s23 =	simm.s32 $0x19000;
	s0 =	sadd.s32 s6, s0  }
0xf: {  	s25 =	ssub.s32 s8, s24;
	s26 =	sor.u32 $0x20, s5;
	s5 =	sshrl.u32 s5, $0x3  }
0x10: {  	s8 =	sadd.s32 $0x200, s1;
	s24 =	simm.s32 $0x19800;
	s28 =	sadd.s32 $0x400, s0  }
0x11: {  	s7 =	sshrl.u32 s26, $0x3;
	s0 =	sadd.s32 $0x4400, s0;
	s5 =	smul.u32 $0x600, s5  }
.Ltmp0:
0x12: {  	s6 =	smax.u32 s25, $0x1;
	[dreg:$0x5] =	wrdreg s28;
	(pc) =	sbr.rel .LBB2_1-.Ltmp0, $4  }
0x13: {  	s25 =	simm.s32 $0x2;
	s26 =	simm.s32 $0x3;
	[dreg:$0x6] =	wrdreg s0  }
0x14: {  	v3 =	vlaneseq.u32;
	s29 =	smul.u32 $0x600, s7;
	s7 =	sadd.s32 $0x100, s1;
	[dreg:$0x7] =	wrdreg s6  }
0x15: {  	vm0 =	vmmov $0xffff;
	v2 =	vshrl.u32 v3, $0x3;
	s0 =	simm.s32 $0x18000;
	s6 =	simm.s32 $0x12800;
	s13 =	sadd.s32 s5, s3  }
0x16: {  	v1 =	vand.u32 $0x7, v3;
	v3 =	vor.u32 $0x8, v3;
	v2 =	vmul.u32 $0x8, v2;
	s5 =	simm.s32 $0x10800;
	s12 =	sadd.s32 s29, s3;
	s3 =	simm.s32 $0xF800  }
.LBB2_6:
0x17: {  	s29 =	simm.s32 $0x4  }
0x18: {  	_ =	swait.ge [sflag:s29], $0xC000  }
0x19: {  	s30 =	rddreg [dreg:$0x8]  }
0x1a: {  	s28 =	rddreg [dreg:$0x7];
	s30 =	sadd.s32 $0x1, s30  }
0x1b: {  	p0 =	sne.s32 s30, s28  }
.Ltmp1:
0x1c: {  	_ = 	snop;
	(pc) =	sbr.rel @!p0 .LBB2_7-.Ltmp1, $3  }
0x1d: {  	_ =	sdelay $0x1  }
0x1e: {  	[sflag:s29] =	ssyncset.done $0x0  }
0x1f: {  	[sflag:s29] =	ssyncadd.s32 $0xFFFF4000  }
.LBB2_1:
0x20: {  	[dreg:$0x8] =	wrdreg s30  }
0x21: {  	s28 =	rddreg [dreg:$0x5];
	s29 =	simm.s32 $0x5  }
0x22: {  	[tilespmem:s4], [sflag:$0x5] =	stream.linear.gather [hbm4b:s28+s4], $0x1000, $0x38;
	[tilespmem:$0x1A000] =	vst v63  }
0x23: {  	_ =	swait.ge [sflag:s29], $0x1000  }
0x24: {  	[sflag:s29] =	ssyncset.done $0x0  }
0x25: {  	s30 =	simm.s32 $0x1000;
	s28 =	rddreg [dreg:$0x6];
	[sflag:s29] =	ssyncadd.s32 $0xFFFFF000  }
0x26: {  	[tilespmem:s30], [sflag:$0x5] =	stream.linear.gather [hbm4b:s28+s4], $0x1000, $0x38;
	[tilespmem:$0x1A000] =	vst v63  }
0x27: {  	_ =	swait.ge [sflag:s29], $0x1000  }
0x28: {  	[sflag:s29] =	ssyncset.done $0x0  }
0x29: {  	s28 =	simm.s32 $0x0;
	[sflag:s29] =	ssyncadd.s32 $0xFFFFF000  }
0x2a: {  	s29 =	simm.s32 $0x200;
	v4 =	vld [tilespmem:s28+$0x0]  }
.LBB2_2:
0x2b: {  	p0 =	sne.s32 s29, $0x7E00;
	v5 =	vld [tilespmem:s28+$0x10];
	_ =	sdelay $0x3  }
.Ltmp2:
0x2c: {  	vm1 =	vgt.s32 v4, $0x1;
	(pc) =	sbr.rel @p0 .LBB2_2-.Ltmp2, $4  }
0x2d: {  	v4 =	vnsel vm1, $0x0, v4;
	vm1 =	vgt.s32 v5, $0x1  }
0x2e: {  	v4 =	vadd.s32 v0, v4;
	v5 =	vnsel vm1, $0x0, v5  }
0x2f: {  	s30 =	sshra.s32 s29, $0x2;
	[tilespmem:s28+$0x0] =	vst v4;
	v5 =	vadd.s32 v0, v5  }
0x30: {  	s29 =	sadd.s32 $0x200, s29;
	v4 =	vld [tilespmem:s30+$0x0];
	[tilespmem:s28+$0x10] =	vst v5;
	s28 =	smov.u32 s30  }
0x31: {  	v5 =	vld [tilespmem:s28+$0x10];
	_ =	sdelay $0x3  }
0x32: {  	vm1 =	vgt.s32 v4, $0x1  }
0x33: {  	v4 =	vnsel vm1, $0x0, v4;
	vm1 =	vgt.s32 v5, $0x1  }
0x34: {  	v4 =	vadd.s32 v0, v4;
	v5 =	vnsel vm1, $0x0, v5  }
0x35: {  	[tilespmem:s28+$0x0] =	vst v4;
	v4 =	vadd.s32 v0, v5  }
0x36: {  	[tilespmem:s28+$0x10] =	vst v4  }
0x37: {  	v4 =	vld [tilespmem:$0x0];
	_ =	sdelay $0x4  }
0x38: {  	v5 =	vshrl.u32 v4, $0x3  }
0x39: {  	v5 =	vmul.u32 $0x30, v5  }
0x3a: {  	v4 =	vand.u32 $0x7, v4  }
0x3b: {  	v4 =	vor.u32 v4, v5  }
0x3c: {  	v5 =	vperm.xlane v4, v1;
	_ =	sdelay $0x1  }
0x3d: {  	v5 =	vadd.s32 v2, v5;
	_ =	sdelay $0x3  }
0x3e: {  	s28 =	simm.s32 $0x0;
	v4 =	vperm.xlane v4, v3  }
0x3f: {  	[tilespmem:s16], [sflag:$0x1] =	stream.indirect_vreg.gather [hbm4b:s1+s28], $0x80, v5, vm0, $0xb8;
	[tilespmem:$0x1A000] =	vst v63  }
0x40: {  	s29 =	simm.s32 $0x2800;
	v4 =	vadd.s32 v2, v4  }
0x41: {  	[tilespmem:s29], [sflag:$0x1] =	stream.indirect_vreg.gather [hbm4b:s7+s28], $0x80, v5, vm0, $0xb8;
	[tilespmem:$0x1A000] =	vst v63  }
0x42: {  	s29 =	simm.s32 $0x3000  }
0x43: {  	[tilespmem:s29], [sflag:$0x1] =	stream.indirect_vreg.gather [hbm4b:s8+s28], $0x80, v5, vm0, $0xb8;
	[tilespmem:$0x1A000] =	vst v63  }
0x44: {  	s29 =	simm.s32 $0x5000  }
0x45: {  	[tilespmem:s29], [sflag:$0x1] =	stream.indirect_vreg.gather [hbm4b:s1+s28], $0x80, v4, vm0, $0xb8;
	[tilespmem:$0x1A000] =	vst v63  }
0x46: {  	s29 =	simm.s32 $0x5800  }
0x47: {  	[tilespmem:s29], [sflag:$0x1] =	stream.indirect_vreg.gather [hbm4b:s7+s28], $0x80, v4, vm0, $0xb8;
	[tilespmem:$0x1A000] =	vst v63  }
0x48: {  	s29 =	simm.s32 $0x6000  }
0x49: {  	[tilespmem:s29], [sflag:$0x1] =	stream.indirect_vreg.gather [hbm4b:s8+s28], $0x80, v4, vm0, $0xb8;
	[tilespmem:$0x1A000] =	vst v63  }
0x4a: {  	v4 =	vld [tilespmem:$0x10];
	_ =	sdelay $0x4  }
0x4b: {  	v5 =	vshrl.u32 v4, $0x3  }
0x4c: {  	v5 =	vmul.u32 $0x30, v5  }
0x4d: {  	v4 =	vand.u32 $0x7, v4  }
0x4e: {  	v4 =	vor.u32 v4, v5  }
0x4f: {  	v5 =	vperm.xlane v4, v1;
	_ =	sdelay $0x1  }
0x50: {  	v5 =	vadd.s32 v2, v5;
	_ =	sdelay $0x3  }
0x51: {  	s29 =	simm.s32 $0x8000;
	v4 =	vperm.xlane v4, v3  }
0x52: {  	[tilespmem:s29], [sflag:$0x1] =	stream.indirect_vreg.gather [hbm4b:s1+s28], $0x80, v5, vm0, $0xb8;
	[tilespmem:$0x1A000] =	vst v63  }
0x53: {  	v4 =	vadd.s32 v2, v4;
	s29 =	simm.s32 $0x8800  }
0x54: {  	[tilespmem:s29], [sflag:$0x1] =	stream.indirect_vreg.gather [hbm4b:s7+s28], $0x80, v5, vm0, $0xb8;
	[tilespmem:$0x1A000] =	vst v63  }
0x55: {  	s29 =	simm.s32 $0x9000  }
0x56: {  	[tilespmem:s29], [sflag:$0x1] =	stream.indirect_vreg.gather [hbm4b:s8+s28], $0x80, v5, vm0, $0xb8;
	[tilespmem:$0x1A000] =	vst v63  }
0x57: {  	s29 =	simm.s32 $0xB000  }
0x58: {  	[tilespmem:s29], [sflag:$0x1] =	stream.indirect_vreg.gather [hbm4b:s1+s28], $0x80, v4, vm0, $0xb8;
	[tilespmem:$0x1A000] =	vst v63  }
0x59: {  	s29 =	simm.s32 $0xB800  }
0x5a: {  	[tilespmem:s29], [sflag:$0x1] =	stream.indirect_vreg.gather [hbm4b:s7+s28], $0x80, v4, vm0, $0xb8;
	[tilespmem:$0x1A000] =	vst v63  }
0x5b: {  	s29 =	simm.s32 $0xC000  }
0x5c: {  	[tilespmem:s29], [sflag:$0x1] =	stream.indirect_vreg.gather [hbm4b:s8+s28], $0x80, v4, vm0, $0xb8;
	[tilespmem:$0x1A000] =	vst v63  }
0x5d: {  	v4 =	vld [tilespmem:$0x1000];
	_ =	sdelay $0x4  }
0x5e: {  	v5 =	vshrl.u32 v4, $0x3  }
0x5f: {  	v5 =	vmul.u32 $0x30, v5  }
0x60: {  	v4 =	vand.u32 $0x7, v4  }
0x61: {  	v4 =	vor.u32 v4, v5  }
0x62: {  	v5 =	vperm.xlane v4, v1;
	_ =	sdelay $0x1  }
0x63: {  	v5 =	vadd.s32 v2, v5;
	_ =	sdelay $0x3  }
0x64: {  	s29 =	simm.s32 $0x3800;
	v4 =	vperm.xlane v4, v3  }
0x65: {  	[tilespmem:s29], [sflag:$0x1] =	stream.indirect_vreg.gather [hbm4b:s2+s28], $0x80, v5, vm0, $0xb8;
	[tilespmem:$0x1A000] =	vst v63  }
0x66: {  	v4 =	vadd.s32 v2, v4;
	s29 =	simm.s32 $0x4000  }
0x67: {  	[tilespmem:s29], [sflag:$0x1] =	stream.indirect_vreg.gather [hbm4b:s9+s28], $0x80, v5, vm0, $0xb8;
	[tilespmem:$0x1A000] =	vst v63  }
0x68: {  	s29 =	simm.s32 $0x4800  }
0x69: {  	[tilespmem:s29], [sflag:$0x1] =	stream.indirect_vreg.gather [hbm4b:s10+s28], $0x80, v5, vm0, $0xb8;
	[tilespmem:$0x1A000] =	vst v63  }
0x6a: {  	s29 =	simm.s32 $0x6800  }
0x6b: {  	[tilespmem:s29], [sflag:$0x1] =	stream.indirect_vreg.gather [hbm4b:s2+s28], $0x80, v4, vm0, $0xb8;
	[tilespmem:$0x1A000] =	vst v63  }
0x6c: {  	s29 =	simm.s32 $0x7000  }
0x6d: {  	[tilespmem:s29], [sflag:$0x1] =	stream.indirect_vreg.gather [hbm4b:s9+s28], $0x80, v4, vm0, $0xb8;
	[tilespmem:$0x1A000] =	vst v63  }
0x6e: {  	s29 =	simm.s32 $0x7800  }
0x6f: {  	[tilespmem:s29], [sflag:$0x1] =	stream.indirect_vreg.gather [hbm4b:s10+s28], $0x80, v4, vm0, $0xb8;
	[tilespmem:$0x1A000] =	vst v63  }
0x70: {  	v4 =	vld [tilespmem:$0x1010];
	_ =	sdelay $0x4  }
0x71: {  	v5 =	vshrl.u32 v4, $0x3  }
0x72: {  	v5 =	vmul.u32 $0x30, v5  }
0x73: {  	v4 =	vand.u32 $0x7, v4  }
0x74: {  	v4 =	vor.u32 v4, v5  }
0x75: {  	v5 =	vperm.xlane v4, v1;
	_ =	sdelay $0x1  }
0x76: {  	v5 =	vadd.s32 v2, v5;
	_ =	sdelay $0x3  }
0x77: {  	s29 =	simm.s32 $0x9800;
	v4 =	vperm.xlane v4, v3  }
0x78: {  	[tilespmem:s29], [sflag:$0x1] =	stream.indirect_vreg.gather [hbm4b:s2+s28], $0x80, v5, vm0, $0xb8;
	[tilespmem:$0x1A000] =	vst v63  }
0x79: {  	v4 =	vadd.s32 v2, v4;
	s29 =	simm.s32 $0xA000  }
0x7a: {  	[tilespmem:s29], [sflag:$0x1] =	stream.indirect_vreg.gather [hbm4b:s9+s28], $0x80, v5, vm0, $0xb8;
	[tilespmem:$0x1A000] =	vst v63  }
0x7b: {  	s29 =	simm.s32 $0xA800  }
0x7c: {  	[tilespmem:s29], [sflag:$0x1] =	stream.indirect_vreg.gather [hbm4b:s10+s28], $0x80, v5, vm0, $0xb8;
	[tilespmem:$0x1A000] =	vst v63  }
0x7d: {  	s29 =	simm.s32 $0xC800  }
0x7e: {  	[tilespmem:s29], [sflag:$0x1] =	stream.indirect_vreg.gather [hbm4b:s2+s28], $0x80, v4, vm0, $0xb8;
	[tilespmem:$0x1A000] =	vst v63  }
0x7f: {  	s29 =	simm.s32 $0xD000  }
0x80: {  	[tilespmem:s29], [sflag:$0x1] =	stream.indirect_vreg.gather [hbm4b:s9+s28], $0x80, v4, vm0, $0xb8;
	[tilespmem:$0x1A000] =	vst v63  }
0x81: {  	s29 =	simm.s32 $0xD800  }
0x82: {  	[tilespmem:s29], [sflag:$0x1] =	stream.indirect_vreg.gather [hbm4b:s10+s28], $0x80, v4, vm0, $0xb8;
	[tilespmem:$0x1A000] =	vst v63  }
0x83: {  	s29 =	simm.s32 $0x1080  }
.LBB2_4:
0x84: {  	_ =	swait.ge [sflag:s19], $0x6000  }
0x85: {  	[sflag:s19] =	ssyncset.done $0x0  }
0x86: {  	[sflag:s19] =	ssyncadd.s32 $0xFFFFA000  }
0x87: {  	_ =	swait.ge [sflag:s19], $0x6000  }
0x88: {  	[sflag:s19] =	ssyncset.done $0x0  }
0x89: {  	s30 =	sadd.s32 s28, s13;
	p0 =	seq.s32 s28, $0x0;
	[sflag:s19] =	ssyncadd.s32 $0xFFFFA000  }
0x8a: {  	[hbm4b:s30+s4] =	stream.linear.scatter [tilespmem:s16], [sflag:$0x3], $0xC000, $0x38;
	[tilespmem:$0x1A000] =	vst v63  }
0x8b: {  	s30 =	simm.s32 @!p0 $0x4  }
0x8c: {  	_ =	swait.ge @!p0 [sflag:s30], $0xC000  }
0x8d: {  	[sflag:s30] =	ssyncset.done @!p0 $0x0  }
0x8e: {  	[sflag:s30] =	ssyncadd.s32 @!p0 $0xFFFF4000  }
0x8f: {  	v4 =	vld [tilespmem:s29+$0xFFFFF000];
	_ =	sdelay $0x4  }
0x90: {  	v5 =	vshrl.u32 v4, $0x3  }
0x91: {  	v5 =	vmul.u32 $0x30, v5  }
0x92: {  	v4 =	vand.u32 $0x7, v4  }
0x93: {  	v4 =	vor.u32 v4, v5  }
0x94: {  	v5 =	vperm.xlane v4, v1;
	_ =	sdelay $0x1  }
0x95: {  	v5 =	vadd.s32 v2, v5;
	_ =	sdelay $0x3  }
0x96: {  	v4 =	vperm.xlane v4, v3  }
0x97: {  	[tilespmem:s20], [sflag:$0x2] =	stream.indirect_vreg.gather [hbm4b:s1+s4], $0x80, v5, vm0, $0xb8;
	[tilespmem:$0x1A000] =	vst v63  }
0x98: {  	s30 =	simm.s32 $0xE800;
	v4 =	vadd.s32 v2, v4  }
0x99: {  	[tilespmem:s30], [sflag:$0x2] =	stream.indirect_vreg.gather [hbm4b:s7+s4], $0x80, v5, vm0, $0xb8;
	[tilespmem:$0x1A000] =	vst v63  }
0x9a: {  	s30 =	simm.s32 $0xF000  }
0x9b: {  	[tilespmem:s30], [sflag:$0x2] =	stream.indirect_vreg.gather [hbm4b:s8+s4], $0x80, v5, vm0, $0xb8;
	[tilespmem:$0x1A000] =	vst v63  }
0x9c: {  	s30 =	simm.s32 $0x11000  }
0x9d: {  	[tilespmem:s30], [sflag:$0x2] =	stream.indirect_vreg.gather [hbm4b:s1+s4], $0x80, v4, vm0, $0xb8;
	[tilespmem:$0x1A000] =	vst v63  }
0x9e: {  	s30 =	simm.s32 $0x11800  }
0x9f: {  	[tilespmem:s30], [sflag:$0x2] =	stream.indirect_vreg.gather [hbm4b:s7+s4], $0x80, v4, vm0, $0xb8;
	[tilespmem:$0x1A000] =	vst v63  }
0xa0: {  	s30 =	simm.s32 $0x12000  }
0xa1: {  	[tilespmem:s30], [sflag:$0x2] =	stream.indirect_vreg.gather [hbm4b:s8+s4], $0x80, v4, vm0, $0xb8;
	[tilespmem:$0x1A000] =	vst v63  }
0xa2: {  	v4 =	vld [tilespmem:s29+$0xFFFFF010];
	_ =	sdelay $0x4  }
0xa3: {  	v5 =	vshrl.u32 v4, $0x3  }
0xa4: {  	v5 =	vmul.u32 $0x30, v5  }
0xa5: {  	v4 =	vand.u32 $0x7, v4  }
0xa6: {  	v4 =	vor.u32 v4, v5  }
0xa7: {  	v5 =	vperm.xlane v4, v1;
	_ =	sdelay $0x1  }
0xa8: {  	v5 =	vadd.s32 v2, v5;
	_ =	sdelay $0x3  }
0xa9: {  	s30 =	simm.s32 $0x14000;
	v4 =	vperm.xlane v4, v3  }
0xaa: {  	[tilespmem:s30], [sflag:$0x2] =	stream.indirect_vreg.gather [hbm4b:s1+s4], $0x80, v5, vm0, $0xb8;
	[tilespmem:$0x1A000] =	vst v63  }
0xab: {  	v4 =	vadd.s32 v2, v4;
	s30 =	simm.s32 $0x14800  }
0xac: {  	[tilespmem:s30], [sflag:$0x2] =	stream.indirect_vreg.gather [hbm4b:s7+s4], $0x80, v5, vm0, $0xb8;
	[tilespmem:$0x1A000] =	vst v63  }
0xad: {  	s30 =	simm.s32 $0x15000  }
0xae: {  	[tilespmem:s30], [sflag:$0x2] =	stream.indirect_vreg.gather [hbm4b:s8+s4], $0x80, v5, vm0, $0xb8;
	[tilespmem:$0x1A000] =	vst v63  }
0xaf: {  	s30 =	simm.s32 $0x17000  }
0xb0: {  	[tilespmem:s30], [sflag:$0x2] =	stream.indirect_vreg.gather [hbm4b:s1+s4], $0x80, v4, vm0, $0xb8;
	[tilespmem:$0x1A000] =	vst v63  }
0xb1: {  	_ = 	snop  }
0xb2: {  	[tilespmem:s31], [sflag:$0x2] =	stream.indirect_vreg.gather [hbm4b:s7+s4], $0x80, v4, vm0, $0xb8;
	[tilespmem:$0x1A000] =	vst v63  }
0xb3: {  	_ = 	snop  }
0xb4: {  	[tilespmem:s0], [sflag:$0x2] =	stream.indirect_vreg.gather [hbm4b:s8+s4], $0x80, v4, vm0, $0xb8;
	[tilespmem:$0x1A000] =	vst v63  }
0xb5: {  	v4 =	vld [tilespmem:s29+$0x0];
	_ =	sdelay $0x4  }
0xb6: {  	v5 =	vshrl.u32 v4, $0x3  }
0xb7: {  	v5 =	vmul.u32 $0x30, v5  }
0xb8: {  	v4 =	vand.u32 $0x7, v4  }
0xb9: {  	v4 =	vor.u32 v4, v5  }
0xba: {  	v5 =	vperm.xlane v4, v1;
	_ =	sdelay $0x1  }
0xbb: {  	v5 =	vadd.s32 v2, v5;
	_ =	sdelay $0x3  }
0xbc: {  	v4 =	vperm.xlane v4, v3  }
0xbd: {  	[tilespmem:s3], [sflag:$0x2] =	stream.indirect_vreg.gather [hbm4b:s2+s4], $0x80, v5, vm0, $0xb8;
	[tilespmem:$0x1A000] =	vst v63  }
0xbe: {  	v4 =	vadd.s32 v2, v4  }
0xbf: {  	[tilespmem:s15], [sflag:$0x2] =	stream.indirect_vreg.gather [hbm4b:s9+s4], $0x80, v5, vm0, $0xb8;
	[tilespmem:$0x1A000] =	vst v63  }
0xc0: {  	_ = 	snop  }
0xc1: {  	[tilespmem:s5], [sflag:$0x2] =	stream.indirect_vreg.gather [hbm4b:s10+s4], $0x80, v5, vm0, $0xb8;
	[tilespmem:$0x1A000] =	vst v63  }
0xc2: {  	_ = 	snop  }
0xc3: {  	[tilespmem:s6], [sflag:$0x2] =	stream.indirect_vreg.gather [hbm4b:s2+s4], $0x80, v4, vm0, $0xb8;
	[tilespmem:$0x1A000] =	vst v63  }
0xc4: {  	_ = 	snop  }
0xc5: {  	[tilespmem:s11], [sflag:$0x2] =	stream.indirect_vreg.gather [hbm4b:s9+s4], $0x80, v4, vm0, $0xb8;
	[tilespmem:$0x1A000] =	vst v63  }
0xc6: {  	_ = 	snop  }
0xc7: {  	[tilespmem:s14], [sflag:$0x2] =	stream.indirect_vreg.gather [hbm4b:s10+s4], $0x80, v4, vm0, $0xb8;
	[tilespmem:$0x1A000] =	vst v63  }
0xc8: {  	v4 =	vld [tilespmem:s29+$0x10];
	_ =	sdelay $0x4  }
0xc9: {  	v5 =	vshrl.u32 v4, $0x3  }
0xca: {  	v5 =	vmul.u32 $0x30, v5  }
0xcb: {  	v4 =	vand.u32 $0x7, v4  }
0xcc: {  	v4 =	vor.u32 v4, v5  }
0xcd: {  	v5 =	vperm.xlane v4, v1;
	_ =	sdelay $0x1  }
0xce: {  	v5 =	vadd.s32 v2, v5;
	_ =	sdelay $0x3  }
0xcf: {  	v4 =	vperm.xlane v4, v3  }
0xd0: {  	[tilespmem:s17], [sflag:$0x2] =	stream.indirect_vreg.gather [hbm4b:s2+s4], $0x80, v5, vm0, $0xb8;
	[tilespmem:$0x1A000] =	vst v63  }
0xd1: {  	v4 =	vadd.s32 v2, v4  }
0xd2: {  	[tilespmem:s18], [sflag:$0x2] =	stream.indirect_vreg.gather [hbm4b:s9+s4], $0x80, v5, vm0, $0xb8;
	[tilespmem:$0x1A000] =	vst v63  }
0xd3: {  	_ = 	snop  }
0xd4: {  	[tilespmem:s21], [sflag:$0x2] =	stream.indirect_vreg.gather [hbm4b:s10+s4], $0x80, v5, vm0, $0xb8;
	[tilespmem:$0x1A000] =	vst v63  }
0xd5: {  	_ = 	snop  }
0xd6: {  	[tilespmem:s22], [sflag:$0x2] =	stream.indirect_vreg.gather [hbm4b:s2+s4], $0x80, v4, vm0, $0xb8;
	[tilespmem:$0x1A000] =	vst v63  }
0xd7: {  	_ = 	snop  }
0xd8: {  	[tilespmem:s23], [sflag:$0x2] =	stream.indirect_vreg.gather [hbm4b:s9+s4], $0x80, v4, vm0, $0xb8;
	[tilespmem:$0x1A000] =	vst v63  }
0xd9: {  	_ = 	snop  }
0xda: {  	[tilespmem:s24], [sflag:$0x2] =	stream.indirect_vreg.gather [hbm4b:s10+s4], $0x80, v4, vm0, $0xb8;
	[tilespmem:$0x1A000] =	vst v63  }
0xdb: {  	_ =	swait.ge [sflag:s25], $0x6000  }
0xdc: {  	p0 =	seq.s32 s28, $0x2D000;
	[sflag:s25] =	ssyncset.done $0x0  }
.Ltmp3:
0xdd: {  	[sflag:s25] =	ssyncadd.s32 $0xFFFFA000;
	(pc) =	sbr.rel @p0 .LBB2_6-.Ltmp3, $4  }
0xde: {  	_ =	swait.ge [sflag:s25], $0x6000  }
0xdf: {  	[sflag:s25] =	ssyncset.done $0x0  }
0xe0: {  	s30 =	sadd.s32 s28, s12;
	[sflag:s25] =	ssyncadd.s32 $0xFFFFA000  }
0xe1: {  	[hbm4b:s30+s4] =	stream.linear.scatter [tilespmem:s20], [sflag:$0x4], $0xC000, $0x38;
	[tilespmem:$0x1A000] =	vst v63  }
0xe2: {  	_ =	swait.ge [sflag:s26], $0xC000  }
0xe3: {  	[sflag:s26] =	ssyncset.done $0x0  }
0xe4: {  	[sflag:s26] =	ssyncadd.s32 $0xFFFF4000  }
0xe5: {  	v4 =	vld [tilespmem:s29+$0xFFFFF080];
	_ =	sdelay $0x4  }
0xe6: {  	v5 =	vshrl.u32 v4, $0x3  }
0xe7: {  	v5 =	vmul.u32 $0x30, v5  }
0xe8: {  	v4 =	vand.u32 $0x7, v4  }
0xe9: {  	v4 =	vor.u32 v4, v5  }
0xea: {  	v5 =	vperm.xlane v4, v1;
	_ =	sdelay $0x1  }
0xeb: {  	v5 =	vadd.s32 v2, v5;
	_ =	sdelay $0x3  }
0xec: {  	v4 =	vperm.xlane v4, v3  }
0xed: {  	[tilespmem:s16], [sflag:$0x1] =	stream.indirect_vreg.gather [hbm4b:s1+s4], $0x80, v5, vm0, $0xb8;
	[tilespmem:$0x1A000] =	vst v63  }
0xee: {  	s30 =	simm.s32 $0x2800;
	v4 =	vadd.s32 v2, v4  }
0xef: {  	[tilespmem:s30], [sflag:$0x1] =	stream.indirect_vreg.gather [hbm4b:s7+s4], $0x80, v5, vm0, $0xb8;
	[tilespmem:$0x1A000] =	vst v63  }
0xf0: {  	s30 =	simm.s32 $0x3000  }
0xf1: {  	[tilespmem:s30], [sflag:$0x1] =	stream.indirect_vreg.gather [hbm4b:s8+s4], $0x80, v5, vm0, $0xb8;
	[tilespmem:$0x1A000] =	vst v63  }
0xf2: {  	s30 =	simm.s32 $0x5000  }
0xf3: {  	[tilespmem:s30], [sflag:$0x1] =	stream.indirect_vreg.gather [hbm4b:s1+s4], $0x80, v4, vm0, $0xb8;
	[tilespmem:$0x1A000] =	vst v63  }
0xf4: {  	s30 =	simm.s32 $0x5800  }
0xf5: {  	[tilespmem:s30], [sflag:$0x1] =	stream.indirect_vreg.gather [hbm4b:s7+s4], $0x80, v4, vm0, $0xb8;
	[tilespmem:$0x1A000] =	vst v63  }
0xf6: {  	s30 =	simm.s32 $0x6000  }
0xf7: {  	[tilespmem:s30], [sflag:$0x1] =	stream.indirect_vreg.gather [hbm4b:s8+s4], $0x80, v4, vm0, $0xb8;
	[tilespmem:$0x1A000] =	vst v63  }
0xf8: {  	v4 =	vld [tilespmem:s29+$0xFFFFF090];
	_ =	sdelay $0x4  }
0xf9: {  	v5 =	vshrl.u32 v4, $0x3  }
0xfa: {  	v5 =	vmul.u32 $0x30, v5  }
0xfb: {  	v4 =	vand.u32 $0x7, v4  }
0xfc: {  	v4 =	vor.u32 v4, v5  }
0xfd: {  	v5 =	vperm.xlane v4, v1;
	_ =	sdelay $0x1  }
0xfe: {  	v5 =	vadd.s32 v2, v5;
	_ =	sdelay $0x3  }
0xff: {  	s30 =	simm.s32 $0x8000;
	v4 =	vperm.xlane v4, v3  }
0x100: {  	[tilespmem:s30], [sflag:$0x1] =	stream.indirect_vreg.gather [hbm4b:s1+s4], $0x80, v5, vm0, $0xb8;
	[tilespmem:$0x1A000] =	vst v63  }
0x101: {  	v4 =	vadd.s32 v2, v4;
	s30 =	simm.s32 $0x8800  }
0x102: {  	[tilespmem:s30], [sflag:$0x1] =	stream.indirect_vreg.gather [hbm4b:s7+s4], $0x80, v5, vm0, $0xb8;
	[tilespmem:$0x1A000] =	vst v63  }
0x103: {  	s30 =	simm.s32 $0x9000  }
0x104: {  	[tilespmem:s30], [sflag:$0x1] =	stream.indirect_vreg.gather [hbm4b:s8+s4], $0x80, v5, vm0, $0xb8;
	[tilespmem:$0x1A000] =	vst v63  }
0x105: {  	s30 =	simm.s32 $0xB000  }
0x106: {  	[tilespmem:s30], [sflag:$0x1] =	stream.indirect_vreg.gather [hbm4b:s1+s4], $0x80, v4, vm0, $0xb8;
	[tilespmem:$0x1A000] =	vst v63  }
0x107: {  	s30 =	simm.s32 $0xB800  }
0x108: {  	[tilespmem:s30], [sflag:$0x1] =	stream.indirect_vreg.gather [hbm4b:s7+s4], $0x80, v4, vm0, $0xb8;
	[tilespmem:$0x1A000] =	vst v63  }
0x109: {  	s30 =	simm.s32 $0xC000  }
0x10a: {  	[tilespmem:s30], [sflag:$0x1] =	stream.indirect_vreg.gather [hbm4b:s8+s4], $0x80, v4, vm0, $0xb8;
	[tilespmem:$0x1A000] =	vst v63  }
0x10b: {  	v4 =	vld [tilespmem:s29+$0x80];
	_ =	sdelay $0x4  }
0x10c: {  	v5 =	vshrl.u32 v4, $0x3  }
0x10d: {  	v5 =	vmul.u32 $0x30, v5  }
0x10e: {  	v4 =	vand.u32 $0x7, v4  }
0x10f: {  	v4 =	vor.u32 v4, v5  }
0x110: {  	v5 =	vperm.xlane v4, v1;
	_ =	sdelay $0x1  }
0x111: {  	v5 =	vadd.s32 v2, v5;
	_ =	sdelay $0x3  }
0x112: {  	s30 =	simm.s32 $0x3800;
	v4 =	vperm.xlane v4, v3  }
0x113: {  	[tilespmem:s30], [sflag:$0x1] =	stream.indirect_vreg.gather [hbm4b:s2+s4], $0x80, v5, vm0, $0xb8;
	[tilespmem:$0x1A000] =	vst v63  }
0x114: {  	v4 =	vadd.s32 v2, v4;
	s30 =	simm.s32 $0x4000  }
0x115: {  	[tilespmem:s30], [sflag:$0x1] =	stream.indirect_vreg.gather [hbm4b:s9+s4], $0x80, v5, vm0, $0xb8;
	[tilespmem:$0x1A000] =	vst v63  }
0x116: {  	s30 =	simm.s32 $0x4800  }
0x117: {  	[tilespmem:s30], [sflag:$0x1] =	stream.indirect_vreg.gather [hbm4b:s10+s4], $0x80, v5, vm0, $0xb8;
	[tilespmem:$0x1A000] =	vst v63  }
0x118: {  	s30 =	simm.s32 $0x6800  }
0x119: {  	[tilespmem:s30], [sflag:$0x1] =	stream.indirect_vreg.gather [hbm4b:s2+s4], $0x80, v4, vm0, $0xb8;
	[tilespmem:$0x1A000] =	vst v63  }
0x11a: {  	s30 =	simm.s32 $0x7000  }
0x11b: {  	[tilespmem:s30], [sflag:$0x1] =	stream.indirect_vreg.gather [hbm4b:s9+s4], $0x80, v4, vm0, $0xb8;
	[tilespmem:$0x1A000] =	vst v63  }
0x11c: {  	s30 =	simm.s32 $0x7800  }
0x11d: {  	[tilespmem:s30], [sflag:$0x1] =	stream.indirect_vreg.gather [hbm4b:s10+s4], $0x80, v4, vm0, $0xb8;
	[tilespmem:$0x1A000] =	vst v63  }
0x11e: {  	v4 =	vld [tilespmem:s29+$0x90];
	_ =	sdelay $0x4  }
0x11f: {  	v5 =	vshrl.u32 v4, $0x3  }
0x120: {  	v5 =	vmul.u32 $0x30, v5  }
0x121: {  	v4 =	vand.u32 $0x7, v4  }
0x122: {  	v4 =	vor.u32 v4, v5  }
0x123: {  	v5 =	vperm.xlane v4, v1;
	_ =	sdelay $0x1  }
0x124: {  	v5 =	vadd.s32 v2, v5;
	_ =	sdelay $0x3  }
0x125: {  	s30 =	simm.s32 $0x9800;
	v4 =	vperm.xlane v4, v3  }
0x126: {  	[tilespmem:s30], [sflag:$0x1] =	stream.indirect_vreg.gather [hbm4b:s2+s4], $0x80, v5, vm0, $0xb8;
	[tilespmem:$0x1A000] =	vst v63  }
0x127: {  	v4 =	vadd.s32 v2, v4;
	s30 =	simm.s32 $0xA000  }
0x128: {  	[tilespmem:s30], [sflag:$0x1] =	stream.indirect_vreg.gather [hbm4b:s9+s4], $0x80, v5, vm0, $0xb8;
	[tilespmem:$0x1A000] =	vst v63  }
0x129: {  	s30 =	simm.s32 $0xA800  }
0x12a: {  	[tilespmem:s30], [sflag:$0x1] =	stream.indirect_vreg.gather [hbm4b:s10+s4], $0x80, v5, vm0, $0xb8;
	[tilespmem:$0x1A000] =	vst v63  }
0x12b: {  	s30 =	simm.s32 $0xC800  }
0x12c: {  	[tilespmem:s30], [sflag:$0x1] =	stream.indirect_vreg.gather [hbm4b:s2+s4], $0x80, v4, vm0, $0xb8;
	[tilespmem:$0x1A000] =	vst v63  }
.Ltmp4:
0x12d: {  	_ = 	snop;
	(pc) =	sbr.rel .LBB2_4-.Ltmp4, $4  }
0x12e: {  	s30 =	simm.s32 $0xD000  }
0x12f: {  	[tilespmem:s30], [sflag:$0x1] =	stream.indirect_vreg.gather [hbm4b:s9+s4], $0x80, v4, vm0, $0xb8;
	[tilespmem:$0x1A000] =	vst v63  }
0x130: {  	s28 =	sadd.s32 $0x3000, s28;
	s29 =	sadd.s32 $0x100, s29;
	s30 =	simm.s32 $0xD800  }
0x131: {  	[tilespmem:s30], [sflag:$0x1] =	stream.indirect_vreg.gather [hbm4b:s10+s4], $0x80, v4, vm0, $0xb8;
	[tilespmem:$0x1A000] =	vst v63  }
.LBB2_7:
0x132: {  	_ =	sfence.sel $0x180000  }
0x133: {  	[bflag:$0x0] =	sbarrier.arrive $0xFFFF  }
0x134: {  	_ =	strace $0x90000047  }
0x135: {  	s0 =	stileid.u32;
	[bflag:$0x2] =	sbarrier.arrive $0xFFFF  }
0x136: {  	p0 =	sne.s32 s0, $0x0;
	s0 =	rddreg [dreg:$0x4]  }
0x137: {  	s0 =	sadd.s32 @!p0 $0x100000, s0  }
0x138: {  	[sflag:s0] =	ssyncadd.tile.s32 @!p0 $0x1;
	_ =	shalt  }
.Lfunc_end2:
_tile_overlayer_lowered:
.L_overlay_start_2:
0x139: {  	(tag) =	ssettag $0x2  }
0x13a: {  	s0 =	rddreg [dreg:$0x0];
	s2 =	stileid.u32  }
0x13b: {  	s1 =	rddreg [dreg:$0x1];
	p0 =	sne.s32 s2, $0x0  }
0x13c: {  	s3 =	rddreg [dreg:$0x2];
	[bflag:$0x3] =	sbarrier.arrive $0xFFFF;
	s2 =	simm.s32 @!p0 $0x1C05  }
0x13d: {  	[timem:s3], [sflag:s2] =	dma.local @!p0 [hbm:s0], s1  }
0x13e: {  	s0 =	simm.s32 @!p0 $0x5  }
0x13f: {  	_ =	swait.ge @!p0 [sflag:s0], s1  }
0x140: {  	s1 =	ssub.s32 @!p0 $0x0, s1;
	[sflag:s0] =	ssyncset.done @!p0 $0x0  }
0x141: {  	[sflag:s0] =	ssyncadd.s32 @!p0 s1  }
0x142: {  	[bflag:$0x3] =	sbarrier.arrive $0xFFFF  }
0x143: {  	_ =	shalt  }

</sc_bundles>
